<compile_context>
chip_gen: v7x
topology: tpu7x:2x2x1
jax: 0.10.2.dev20260603
libtpu: 0.0.44.dev20260713+nightly
codegen_flags: <defaults>
</compile_context>

<pallas_src>
import functools

import jax
import jax.numpy as jnp
from jax import lax
from jax.experimental import pallas as pl
from jax.experimental.pallas import tpu as pltpu
from jax.experimental.pallas import tpu_sc as plsc

N = 10000
D = 128
E = 320000

NC = 2
NS = 16
NW = NC * NS
CHUNK = 128
CH_PER_TILE = 79
E_PAD = NW * CH_PER_TILE * CHUNK
NDUM = 512
N_PAD = N + NDUM
ROWS_PER_TILE = N_PAD // NS
CNTW = 128

TOTCH = NW * CH_PER_TILE

_SC_MESH = plsc.VectorSubcoreMesh(
    core_axis_name="c", subcore_axis_name="s", num_cores=NC, num_subcores=NS)


@functools.partial(
    pl.kernel,
    out_type=jax.ShapeDtypeStruct((NW, ROWS_PER_TILE, D), jnp.float32),
    mesh=_SC_MESH,
    scratch_types=[
        pltpu.VMEM((CH_PER_TILE, CHUNK), jnp.int32),
        pltpu.VMEM((CH_PER_TILE, CHUNK), jnp.int32),
        pltpu.VMEM((CHUNK, D), jnp.float32),
        pltpu.VMEM_SHARED((N_PAD, D), jnp.float32),
        pltpu.SemaphoreType.DMA,
    ],
)
def _sc_agg(h_hbm, src_hbm, dst_hbm, zero_hbm, out_hbm,
            src_v, dst_v, rows_v, agg_sh, gsem):
    cid = lax.axis_index("c")
    sid = lax.axis_index("s")
    gtid = cid * NS + sid
    pltpu.sync_copy(zero_hbm, agg_sh.at[pl.ds(sid * ROWS_PER_TILE, ROWS_PER_TILE)])
    pltpu.sync_copy(src_hbm.at[gtid], src_v)
    pltpu.sync_copy(dst_hbm.at[gtid], dst_v)
    plsc.subcore_barrier()

    def step(j, carry):
        pltpu.async_copy(h_hbm.at[src_v.at[j]], rows_v, gsem).wait()
        pltpu.sync_copy(rows_v, agg_sh.at[dst_v.at[j]], add=True)
        return carry

    lax.fori_loop(0, CH_PER_TILE, step, 0)
    plsc.subcore_barrier()
    pltpu.sync_copy(agg_sh.at[pl.ds(sid * ROWS_PER_TILE, ROWS_PER_TILE)],
                    out_hbm.at[gtid])


@functools.partial(
    pl.kernel,
    out_type=jax.ShapeDtypeStruct((NW, ROWS_PER_TILE, CNTW), jnp.float32),
    mesh=_SC_MESH,
    scratch_types=[
        pltpu.VMEM((CH_PER_TILE, CHUNK), jnp.int32),
        pltpu.VMEM((CHUNK, CNTW), jnp.float32),
        pltpu.VMEM_SHARED((N_PAD, CNTW), jnp.float32),
    ],
)
def _sc_count(dst_hbm, ones_hbm, zero_hbm, out_hbm, dst_v, ones_v, cnt_sh):
    cid = lax.axis_index("c")
    sid = lax.axis_index("s")
    gtid = cid * NS + sid
    pltpu.sync_copy(zero_hbm, cnt_sh.at[pl.ds(sid * ROWS_PER_TILE, ROWS_PER_TILE)])
    pltpu.sync_copy(dst_hbm.at[gtid], dst_v)
    pltpu.sync_copy(ones_hbm, ones_v)
    plsc.subcore_barrier()

    def step(j, carry):
        pltpu.sync_copy(ones_v, cnt_sh.at[dst_v.at[j]], add=True)
        return carry

    lax.fori_loop(0, CH_PER_TILE, step, 0)
    plsc.subcore_barrier()
    pltpu.sync_copy(cnt_sh.at[pl.ds(sid * ROWS_PER_TILE, ROWS_PER_TILE)],
                    out_hbm.at[gtid])


_BLK = 1000


def _tc_in_body(x_ref, w_ref, b_ref, o_ref):
    o_ref[...] = (jnp.dot(x_ref[...], w_ref[...],
                          preferred_element_type=jnp.float32) + b_ref[...])


def _tc_layer_body(h_ref, g_ref, c_ref, ws_ref, bs_ref, wn_ref, o_ref):
    g = g_ref[0] + g_ref[1]
    cnt = c_ref[0, :, 0:1] + c_ref[1, :, 0:1]
    agg = g / jnp.maximum(cnt, 1.0)
    t = (jnp.dot(h_ref[...], ws_ref[...], preferred_element_type=jnp.float32)
         + jnp.dot(agg, wn_ref[...], preferred_element_type=jnp.float32)
         + bs_ref[...])
    o_ref[...] = jnp.where(t > 0.0, t, jnp.exp(jnp.minimum(t, 0.0)) - 1.0)


def _tc_input_proj(x, w, b):
    return pl.pallas_call(
        _tc_in_body,
        grid=(N // _BLK,),
        in_specs=[
            pl.BlockSpec((_BLK, D), lambda i: (i, 0)),
            pl.BlockSpec((D, D), lambda i: (0, 0)),
            pl.BlockSpec((1, D), lambda i: (0, 0)),
        ],
        out_specs=pl.BlockSpec((_BLK, D), lambda i: (i, 0)),
        out_shape=jax.ShapeDtypeStruct((N, D), jnp.float32),
    )(x, w, b.reshape(1, D))


def _tc_layer(h, g_parts, c_parts, ws, bs, wn):
    return pl.pallas_call(
        _tc_layer_body,
        grid=(N // _BLK,),
        in_specs=[
            pl.BlockSpec((_BLK, D), lambda i: (i, 0)),
            pl.BlockSpec((NC, _BLK, D), lambda i: (0, i, 0)),
            pl.BlockSpec((NC, _BLK, CNTW), lambda i: (0, i, 0)),
            pl.BlockSpec((D, D), lambda i: (0, 0)),
            pl.BlockSpec((1, D), lambda i: (0, 0)),
            pl.BlockSpec((D, D), lambda i: (0, 0)),
        ],
        out_specs=pl.BlockSpec((_BLK, D), lambda i: (i, 0)),
        out_shape=jax.ShapeDtypeStruct((N, D), jnp.float32),
    )(h, g_parts, c_parts, ws, bs.reshape(1, D), wn)


def kernel(x, edge_index, W_in, b_in, Ws0, bs0, Wn0, Ws1, bs1, Wn1, Ws2, bs2, Wn2):
    src = edge_index[0].astype(jnp.int32)
    dst = edge_index[1].astype(jnp.int32)
    pad = E_PAD - E
    src_p = jnp.concatenate([src, jnp.zeros((pad,), jnp.int32)])
    dst_p = jnp.concatenate(
        [dst, N + (jnp.arange(pad, dtype=jnp.int32) % NDUM)])
    src_p = src_p.reshape(TOTCH, CHUNK)
    dst_p = dst_p.reshape(TOTCH, CHUNK)
    src_t = src_p.reshape(NW, CH_PER_TILE, CHUNK)
    dst_t = dst_p.reshape(NW, CH_PER_TILE, CHUNK)
    dst_pc = dst_t

    zero_rows = jnp.zeros((ROWS_PER_TILE, D), jnp.float32)
    zero_cnt = jnp.zeros((ROWS_PER_TILE, CNTW), jnp.float32)
    ones_rows = jnp.ones((CHUNK, CNTW), jnp.float32)

    c_parts = _sc_count(dst_pc, ones_rows, zero_cnt).reshape(NC, N_PAD, CNTW)

    h = _tc_input_proj(x, W_in, b_in)
    for ws, bs, wn in ((Ws0, bs0, Wn0), (Ws1, bs1, Wn1), (Ws2, bs2, Wn2)):
        g_parts = _sc_agg(h, src_t, dst_t, zero_rows).reshape(NC, N_PAD, D)
        h = _tc_layer(h, g_parts, c_parts, ws, bs, wn)
    return h

# --- scband reference (transcript-rebuilt; emitter-appended) ---
"""Pipeline reference for scband-gplight-encoder-44702019617436 (READ-ONLY COPY).

The authoritative reference and input builder live on the scoring server;
editing this copy changes nothing except your own understanding.
"""

import jax, jax.numpy as jnp
import numpy as np

HIDDEN = 128
N_NODES = 10000
N_EDGES = 320000
D_FEAT = 128
NUM_LAYERS = 3


def setup_inputs(seed: int = 0) -> dict:
    key = jax.random.key(seed)
    ks = jax.random.split(key, 4 + 3 * NUM_LAYERS)
    x = jax.random.normal(ks[0], (N_NODES, D_FEAT), dtype=jnp.float32)
    edge_index = jax.random.randint(ks[1], (2, N_EDGES), 0, N_NODES, dtype=jnp.int64)
    s = 1.0 / np.sqrt(HIDDEN)
    inp = {
        'x': x,
        'edge_index': edge_index,
        'W_in': jax.random.normal(ks[2], (D_FEAT, HIDDEN), dtype=jnp.float32) * s,
        'b_in': jnp.zeros((HIDDEN,), dtype=jnp.float32),
    }
    for l in range(NUM_LAYERS):
        inp[f'Ws{l}'] = jax.random.normal(ks[3 + 3 * l], (HIDDEN, HIDDEN), dtype=jnp.float32) * s
        inp[f'bs{l}'] = jnp.zeros((HIDDEN,), dtype=jnp.float32)
        inp[f'Wn{l}'] = jax.random.normal(ks[4 + 3 * l], (HIDDEN, HIDDEN), dtype=jnp.float32) * s
    return inp


def _aggregate(messages, target_idx, num_targets):
    out = jnp.zeros((num_targets, messages.shape[-1]), dtype=messages.dtype)
    out = out.at[target_idx].add(messages)
    count = jnp.zeros((num_targets, 1), dtype=messages.dtype)
    ones = jnp.ones((target_idx.shape[0], 1), dtype=messages.dtype)
    count = count.at[target_idx].add(ones)
    return out / jnp.maximum(count, 1.0)


def reference(x, edge_index, W_in, b_in, Ws0, bs0, Wn0, Ws1, bs1, Wn1, Ws2, bs2, Wn2):
    Ws = [Ws0, Ws1, Ws2]
    bs = [bs0, bs1, bs2]
    Wn = [Wn0, Wn1, Wn2]
    h = x @ W_in + b_in
    src_idx = edge_index[0]
    dst_idx = edge_index[1]
    for l in range(NUM_LAYERS):
        msg = h[src_idx] @ Wn[l]
        agg = _aggregate(msg, dst_idx, h.shape[0])
        h = jax.nn.elu(h @ Ws[l] + bs[l] + agg)
    return h

if __name__ == "__main__":
    import jax
    _d = setup_inputs()
    print(jax.jit(kernel)(*tuple(_d.values())))

</pallas_src>

<mosaic_0001>
#map = affine_map<(d0, d1) -> (0, 0)>
#map1 = affine_map<(d0, d1) -> (0, 0, 0)>
module attributes {stable_mosaic.version = 14 : i64} {
  func.func @_sc_agg(%arg0: i32, %arg1: i32, %arg2: memref<10000x128xf32, #tpu.memory_space<hbm>>, %arg3: memref<32x79x128xi32, #tpu.memory_space<hbm>>, %arg4: memref<32x79x128xi32, #tpu.memory_space<hbm>>, %arg5: memref<657x128xf32, #tpu.memory_space<hbm>>, %arg6: memref<32x657x128xf32, #tpu.memory_space<hbm>>, %arg7: memref<79x128xi32, #tpu.memory_space<vmem>>, %arg8: memref<79x128xi32, #tpu.memory_space<vmem>>, %arg9: memref<128x128xf32, #tpu.memory_space<vmem>>, %arg10: memref<10512x128xf32, #tpu.memory_space<vmem_shared>>, %arg11: memref<!tpu.dma_semaphore, #tpu.memory_space<semaphore_mem>>) attributes {dimension_semantics = [#tpu.dimension_semantics<core_parallel>, #tpu.dimension_semantics<subcore_parallel>], iteration_bounds = array<i64: 2, 16>, scalar_prefetch = 0 : i64, scratch_operands = 5 : i64, tpu.core_type = #tpu.core_type<sc_vector_subcore>, window_params = [{transform_indices = #map}, {transform_indices = #map1}, {transform_indices = #map1}, {transform_indices = #map}, {transform_indices = #map1}]} {
    %mul3A = arith.constant 16 : i32
    %mul3A_0 = arith.muli %arg0, %mul3A : i32
    %add3A = arith.addi %mul3A_0, %arg1 : i32
    %mul3A_1 = arith.constant 657 : i32
    %mul3A_2 = arith.muli %arg1, %mul3A_1 : i32
    "tpu.region"() ({
      %run_scoped3A = tpu.sem_alloc : memref<!tpu.dma_semaphore, #tpu.memory_space<semaphore_mem>>
      %dma_start3A = arith.constant 0 : i32
      %dma_start3A_11 = tpu.memref_slice %arg10[%mul3A_2, %dma_start3A] : memref<10512x128xf32, #tpu.memory_space<vmem_shared>> -> memref<657x128xf32, #tpu.memory_space<vmem_shared>>
      tpu.enqueue_dma source(%arg5 : memref<657x128xf32, #tpu.memory_space<hbm>>) target(%dma_start3A_11 : memref<657x128xf32, #tpu.memory_space<vmem_shared>>) target_semaphore(%run_scoped3A : memref<!tpu.dma_semaphore, #tpu.memory_space<semaphore_mem>>)
      %dma_wait3A = arith.constant 0 : i32
      %dma_wait3A_12 = tpu.memref_slice %arg10[%mul3A_2, %dma_wait3A] : memref<10512x128xf32, #tpu.memory_space<vmem_shared>> -> memref<657x128xf32, #tpu.memory_space<vmem_shared>>
      tpu.wait_dma2 semaphore(%run_scoped3A : memref<!tpu.dma_semaphore, #tpu.memory_space<semaphore_mem>>) src(%arg5 : memref<657x128xf32, #tpu.memory_space<hbm>>) dst(%dma_wait3A_12 : memref<657x128xf32, #tpu.memory_space<vmem_shared>>)
      tpu.yield
    }) : () -> ()
    "tpu.region"() ({
      %run_scoped3A = tpu.sem_alloc : memref<!tpu.dma_semaphore, #tpu.memory_space<semaphore_mem>>
      %dma_start3A = arith.constant 0 : i32
      %dma_start3A_11 = arith.constant 0 : i32
      %dma_start3A_12 = tpu.memref_slice %arg3[%add3A, %dma_start3A, %dma_start3A_11] : memref<32x79x128xi32, #tpu.memory_space<hbm>> -> memref<1x79x128xi32, #tpu.memory_space<hbm>>
      %dma_start3A_13 = tpu.memref_squeeze %dma_start3A_12 : memref<1x79x128xi32, #tpu.memory_space<hbm>> -> memref<79x128xi32, #tpu.memory_space<hbm>>
      %dma_start3A_14 = arith.constant 0 : i32
      %dma_start3A_15 = arith.constant 0 : i32
      %dma_start3A_16 = tpu.memref_slice %arg3[%add3A, %dma_start3A_14, %dma_start3A_15] : memref<32x79x128xi32, #tpu.memory_space<hbm>> -> memref<1x79x128xi32, #tpu.memory_space<hbm>>
      %dma_start3A_17 = tpu.memref_squeeze %dma_start3A_16 : memref<1x79x128xi32, #tpu.memory_space<hbm>> -> memref<79x128xi32, #tpu.memory_space<hbm>>
      tpu.enqueue_dma source(%dma_start3A_17 : memref<79x128xi32, #tpu.memory_space<hbm>>) target(%arg7 : memref<79x128xi32, #tpu.memory_space<vmem>>) target_semaphore(%run_scoped3A : memref<!tpu.dma_semaphore, #tpu.memory_space<semaphore_mem>>)
      %dma_wait3A = arith.constant 0 : i32
      %dma_wait3A_18 = arith.constant 0 : i32
      %dma_wait3A_19 = tpu.memref_slice %arg3[%add3A, %dma_wait3A, %dma_wait3A_18] : memref<32x79x128xi32, #tpu.memory_space<hbm>> -> memref<1x79x128xi32, #tpu.memory_space<hbm>>
      %dma_wait3A_20 = tpu.memref_squeeze %dma_wait3A_19 : memref<1x79x128xi32, #tpu.memory_space<hbm>> -> memref<79x128xi32, #tpu.memory_space<hbm>>
      %dma_wait3A_21 = arith.constant 0 : i32
      %dma_wait3A_22 = arith.constant 0 : i32
      %dma_wait3A_23 = tpu.memref_slice %arg3[%add3A, %dma_wait3A_21, %dma_wait3A_22] : memref<32x79x128xi32, #tpu.memory_space<hbm>> -> memref<1x79x128xi32, #tpu.memory_space<hbm>>
      %dma_wait3A_24 = tpu.memref_squeeze %dma_wait3A_23 : memref<1x79x128xi32, #tpu.memory_space<hbm>> -> memref<79x128xi32, #tpu.memory_space<hbm>>
      tpu.wait_dma2 semaphore(%run_scoped3A : memref<!tpu.dma_semaphore, #tpu.memory_space<semaphore_mem>>) src(%dma_wait3A_24 : memref<79x128xi32, #tpu.memory_space<hbm>>) dst(%arg7 : memref<79x128xi32, #tpu.memory_space<vmem>>)
      tpu.yield
    }) : () -> ()
    "tpu.region"() ({
      %run_scoped3A = tpu.sem_alloc : memref<!tpu.dma_semaphore, #tpu.memory_space<semaphore_mem>>
      %dma_start3A = arith.constant 0 : i32
      %dma_start3A_11 = arith.constant 0 : i32
      %dma_start3A_12 = tpu.memref_slice %arg4[%add3A, %dma_start3A, %dma_start3A_11] : memref<32x79x128xi32, #tpu.memory_space<hbm>> -> memref<1x79x128xi32, #tpu.memory_space<hbm>>
      %dma_start3A_13 = tpu.memref_squeeze %dma_start3A_12 : memref<1x79x128xi32, #tpu.memory_space<hbm>> -> memref<79x128xi32, #tpu.memory_space<hbm>>
      %dma_start3A_14 = arith.constant 0 : i32
      %dma_start3A_15 = arith.constant 0 : i32
      %dma_start3A_16 = tpu.memref_slice %arg4[%add3A, %dma_start3A_14, %dma_start3A_15] : memref<32x79x128xi32, #tpu.memory_space<hbm>> -> memref<1x79x128xi32, #tpu.memory_space<hbm>>
      %dma_start3A_17 = tpu.memref_squeeze %dma_start3A_16 : memref<1x79x128xi32, #tpu.memory_space<hbm>> -> memref<79x128xi32, #tpu.memory_space<hbm>>
      tpu.enqueue_dma source(%dma_start3A_17 : memref<79x128xi32, #tpu.memory_space<hbm>>) target(%arg8 : memref<79x128xi32, #tpu.memory_space<vmem>>) target_semaphore(%run_scoped3A : memref<!tpu.dma_semaphore, #tpu.memory_space<semaphore_mem>>)
      %dma_wait3A = arith.constant 0 : i32
      %dma_wait3A_18 = arith.constant 0 : i32
      %dma_wait3A_19 = tpu.memref_slice %arg4[%add3A, %dma_wait3A, %dma_wait3A_18] : memref<32x79x128xi32, #tpu.memory_space<hbm>> -> memref<1x79x128xi32, #tpu.memory_space<hbm>>
      %dma_wait3A_20 = tpu.memref_squeeze %dma_wait3A_19 : memref<1x79x128xi32, #tpu.memory_space<hbm>> -> memref<79x128xi32, #tpu.memory_space<hbm>>
      %dma_wait3A_21 = arith.constant 0 : i32
      %dma_wait3A_22 = arith.constant 0 : i32
      %dma_wait3A_23 = tpu.memref_slice %arg4[%add3A, %dma_wait3A_21, %dma_wait3A_22] : memref<32x79x128xi32, #tpu.memory_space<hbm>> -> memref<1x79x128xi32, #tpu.memory_space<hbm>>
      %dma_wait3A_24 = tpu.memref_squeeze %dma_wait3A_23 : memref<1x79x128xi32, #tpu.memory_space<hbm>> -> memref<79x128xi32, #tpu.memory_space<hbm>>
      tpu.wait_dma2 semaphore(%run_scoped3A : memref<!tpu.dma_semaphore, #tpu.memory_space<semaphore_mem>>) src(%dma_wait3A_24 : memref<79x128xi32, #tpu.memory_space<hbm>>) dst(%arg8 : memref<79x128xi32, #tpu.memory_space<vmem>>)
      tpu.yield
    }) : () -> ()
    %barrier3A = arith.constant 0 : index
    tpu.barrier barrier_id(%barrier3A)
    %scan3A = arith.constant 0 : i32
    %scan3A_3 = arith.constant 0 : i32
    %scan3A_4 = arith.constant 79 : i32
    %scan3A_5 = arith.addi %scan3A_3, %scan3A_4 : i32
    %scan3A_6 = arith.constant 1 : i32
    scf.for %scan3A_11 = %scan3A_3 to %scan3A_5 step %scan3A_6  : i32 {
      %dma_start3A = arith.constant 0 : i32
      %dma_start3A_12 = tpu.memref_slice %arg7[%scan3A_11, %dma_start3A] : memref<79x128xi32, #tpu.memory_space<vmem>> -> memref<1x128xi32, #tpu.memory_space<vmem>>
      %dma_start3A_13 = tpu.memref_squeeze %dma_start3A_12 : memref<1x128xi32, #tpu.memory_space<vmem>> -> memref<128xi32, #tpu.memory_space<vmem>>
      %dma_start3A_14 = arith.constant 0 : i32
      %dma_start3A_15 = arith.constant 0 : i32
      %dma_start3A_16 = tpu.memref_slice %arg2[%dma_start3A_14, %dma_start3A_15] : memref<10000x128xf32, #tpu.memory_space<hbm>> -> memref<10000x128xf32, #tpu.memory_space<hbm>>
      tpu.enqueue_indirect_dma source(%dma_start3A_16 : memref<10000x128xf32, #tpu.memory_space<hbm>>) target(%arg9 : memref<128x128xf32, #tpu.memory_space<vmem>>) offsets(%dma_start3A_13 : memref<128xi32, #tpu.memory_space<vmem>>) semaphore(%arg11 : memref<!tpu.dma_semaphore, #tpu.memory_space<semaphore_mem>>)
      %dma_wait3A = arith.constant 0 : i32
      %dma_wait3A_17 = tpu.memref_slice %arg7[%scan3A_11, %dma_wait3A] : memref<79x128xi32, #tpu.memory_space<vmem>> -> memref<1x128xi32, #tpu.memory_space<vmem>>
      %dma_wait3A_18 = tpu.memref_squeeze %dma_wait3A_17 : memref<1x128xi32, #tpu.memory_space<vmem>> -> memref<128xi32, #tpu.memory_space<vmem>>
      %dma_wait3A_19 = arith.constant 0 : i32
      %dma_wait3A_20 = arith.constant 0 : i32
      %dma_wait3A_21 = tpu.memref_slice %arg2[%dma_wait3A_19, %dma_wait3A_20] : memref<10000x128xf32, #tpu.memory_space<hbm>> -> memref<10000x128xf32, #tpu.memory_space<hbm>>
      tpu.wait_indirect_dma semaphore(%arg11 : memref<!tpu.dma_semaphore, #tpu.memory_space<semaphore_mem>>) src(%dma_wait3A_21 : memref<10000x128xf32, #tpu.memory_space<hbm>>) dst(%arg9 : memref<128x128xf32, #tpu.memory_space<vmem>>)
      "tpu.region"() ({
        %run_scoped3A = tpu.sem_alloc : memref<!tpu.dma_semaphore, #tpu.memory_space<semaphore_mem>>
        %dma_start3A_22 = arith.constant 0 : i32
        %dma_start3A_23 = tpu.memref_slice %arg8[%scan3A_11, %dma_start3A_22] : memref<79x128xi32, #tpu.memory_space<vmem>> -> memref<1x128xi32, #tpu.memory_space<vmem>>
        %dma_start3A_24 = tpu.memref_squeeze %dma_start3A_23 : memref<1x128xi32, #tpu.memory_space<vmem>> -> memref<128xi32, #tpu.memory_space<vmem>>
        %dma_start3A_25 = arith.constant 0 : i32
        %dma_start3A_26 = arith.constant 0 : i32
        %dma_start3A_27 = tpu.memref_slice %arg10[%dma_start3A_25, %dma_start3A_26] : memref<10512x128xf32, #tpu.memory_space<vmem_shared>> -> memref<10512x128xf32, #tpu.memory_space<vmem_shared>>
        tpu.enqueue_indirect_dma source(%arg9 : memref<128x128xf32, #tpu.memory_space<vmem>>) target(%dma_start3A_27 : memref<10512x128xf32, #tpu.memory_space<vmem_shared>>) offsets(%dma_start3A_24 : memref<128xi32, #tpu.memory_space<vmem>>) semaphore(%run_scoped3A : memref<!tpu.dma_semaphore, #tpu.memory_space<semaphore_mem>>) {add = true}
        %dma_wait3A_28 = arith.constant 0 : i32
        %dma_wait3A_29 = tpu.memref_slice %arg8[%scan3A_11, %dma_wait3A_28] : memref<79x128xi32, #tpu.memory_space<vmem>> -> memref<1x128xi32, #tpu.memory_space<vmem>>
        %dma_wait3A_30 = tpu.memref_squeeze %dma_wait3A_29 : memref<1x128xi32, #tpu.memory_space<vmem>> -> memref<128xi32, #tpu.memory_space<vmem>>
        %dma_wait3A_31 = arith.constant 0 : i32
        %dma_wait3A_32 = arith.constant 0 : i32
        %dma_wait3A_33 = tpu.memref_slice %arg10[%dma_wait3A_31, %dma_wait3A_32] : memref<10512x128xf32, #tpu.memory_space<vmem_shared>> -> memref<10512x128xf32, #tpu.memory_space<vmem_shared>>
        tpu.wait_indirect_dma semaphore(%run_scoped3A : memref<!tpu.dma_semaphore, #tpu.memory_space<semaphore_mem>>) src(%arg9 : memref<128x128xf32, #tpu.memory_space<vmem>>) dst(%dma_wait3A_33 : memref<10512x128xf32, #tpu.memory_space<vmem_shared>>)
        tpu.yield
      }) : () -> ()
    }
    %scan3A_7 = arith.constant 79 : i32
    %barrier3A_8 = arith.constant 0 : index
    tpu.barrier barrier_id(%barrier3A_8)
    %mul3A_9 = arith.constant 657 : i32
    %mul3A_10 = arith.muli %arg1, %mul3A_9 : i32
    "tpu.region"() ({
      %run_scoped3A = tpu.sem_alloc : memref<!tpu.dma_semaphore, #tpu.memory_space<semaphore_mem>>
      %dma_start3A = arith.constant 0 : i32
      %dma_start3A_11 = arith.constant 0 : i32
      %dma_start3A_12 = tpu.memref_slice %arg6[%add3A, %dma_start3A, %dma_start3A_11] : memref<32x657x128xf32, #tpu.memory_space<hbm>> -> memref<1x657x128xf32, #tpu.memory_space<hbm>>
      %dma_start3A_13 = tpu.memref_squeeze %dma_start3A_12 : memref<1x657x128xf32, #tpu.memory_space<hbm>> -> memref<657x128xf32, #tpu.memory_space<hbm>>
      %dma_start3A_14 = arith.constant 0 : i32
      %dma_start3A_15 = tpu.memref_slice %arg10[%mul3A_10, %dma_start3A_14] : memref<10512x128xf32, #tpu.memory_space<vmem_shared>> -> memref<657x128xf32, #tpu.memory_space<vmem_shared>>
      tpu.enqueue_dma source(%dma_start3A_15 : memref<657x128xf32, #tpu.memory_space<vmem_shared>>) target(%dma_start3A_13 : memref<657x128xf32, #tpu.memory_space<hbm>>) target_semaphore(%run_scoped3A : memref<!tpu.dma_semaphore, #tpu.memory_space<semaphore_mem>>)
      %dma_wait3A = arith.constant 0 : i32
      %dma_wait3A_16 = arith.constant 0 : i32
      %dma_wait3A_17 = tpu.memref_slice %arg6[%add3A, %dma_wait3A, %dma_wait3A_16] : memref<32x657x128xf32, #tpu.memory_space<hbm>> -> memref<1x657x128xf32, #tpu.memory_space<hbm>>
      %dma_wait3A_18 = tpu.memref_squeeze %dma_wait3A_17 : memref<1x657x128xf32, #tpu.memory_space<hbm>> -> memref<657x128xf32, #tpu.memory_space<hbm>>
      %dma_wait3A_19 = arith.constant 0 : i32
      %dma_wait3A_20 = tpu.memref_slice %arg10[%mul3A_10, %dma_wait3A_19] : memref<10512x128xf32, #tpu.memory_space<vmem_shared>> -> memref<657x128xf32, #tpu.memory_space<vmem_shared>>
      tpu.wait_dma2 semaphore(%run_scoped3A : memref<!tpu.dma_semaphore, #tpu.memory_space<semaphore_mem>>) src(%dma_wait3A_20 : memref<657x128xf32, #tpu.memory_space<vmem_shared>>) dst(%dma_wait3A_18 : memref<657x128xf32, #tpu.memory_space<hbm>>)
      tpu.yield
    }) : () -> ()
    return
  }
}

#map = affine_map<(d0, d1) -> (0, 0, 0)>
#map1 = affine_map<(d0, d1) -> (0, 0)>
module attributes {stable_mosaic.version = 14 : i64} {
  func.func @_sc_count(%arg0: i32, %arg1: i32, %arg2: memref<32x79x128xi32, #tpu.memory_space<hbm>>, %arg3: memref<128x128xf32, #tpu.memory_space<hbm>>, %arg4: memref<657x128xf32, #tpu.memory_space<hbm>>, %arg5: memref<32x657x128xf32, #tpu.memory_space<hbm>>, %arg6: memref<79x128xi32, #tpu.memory_space<vmem>>, %arg7: memref<128x128xf32, #tpu.memory_space<vmem>>, %arg8: memref<10512x128xf32, #tpu.memory_space<vmem_shared>>) attributes {dimension_semantics = [#tpu.dimension_semantics<core_parallel>, #tpu.dimension_semantics<subcore_parallel>], iteration_bounds = array<i64: 2, 16>, scalar_prefetch = 0 : i64, scratch_operands = 3 : i64, tpu.core_type = #tpu.core_type<sc_vector_subcore>, window_params = [{transform_indices = #map}, {transform_indices = #map1}, {transform_indices = #map1}, {transform_indices = #map}]} {
    %mul3A = arith.constant 16 : i32
    %mul3A_0 = arith.muli %arg0, %mul3A : i32
    %add3A = arith.addi %mul3A_0, %arg1 : i32
    %mul3A_1 = arith.constant 657 : i32
    %mul3A_2 = arith.muli %arg1, %mul3A_1 : i32
    "tpu.region"() ({
      %run_scoped3A = tpu.sem_alloc : memref<!tpu.dma_semaphore, #tpu.memory_space<semaphore_mem>>
      %dma_start3A = arith.constant 0 : i32
      %dma_start3A_11 = tpu.memref_slice %arg8[%mul3A_2, %dma_start3A] : memref<10512x128xf32, #tpu.memory_space<vmem_shared>> -> memref<657x128xf32, #tpu.memory_space<vmem_shared>>
      tpu.enqueue_dma source(%arg4 : memref<657x128xf32, #tpu.memory_space<hbm>>) target(%dma_start3A_11 : memref<657x128xf32, #tpu.memory_space<vmem_shared>>) target_semaphore(%run_scoped3A : memref<!tpu.dma_semaphore, #tpu.memory_space<semaphore_mem>>)
      %dma_wait3A = arith.constant 0 : i32
      %dma_wait3A_12 = tpu.memref_slice %arg8[%mul3A_2, %dma_wait3A] : memref<10512x128xf32, #tpu.memory_space<vmem_shared>> -> memref<657x128xf32, #tpu.memory_space<vmem_shared>>
      tpu.wait_dma2 semaphore(%run_scoped3A : memref<!tpu.dma_semaphore, #tpu.memory_space<semaphore_mem>>) src(%arg4 : memref<657x128xf32, #tpu.memory_space<hbm>>) dst(%dma_wait3A_12 : memref<657x128xf32, #tpu.memory_space<vmem_shared>>)
      tpu.yield
    }) : () -> ()
    "tpu.region"() ({
      %run_scoped3A = tpu.sem_alloc : memref<!tpu.dma_semaphore, #tpu.memory_space<semaphore_mem>>
      %dma_start3A = arith.constant 0 : i32
      %dma_start3A_11 = arith.constant 0 : i32
      %dma_start3A_12 = tpu.memref_slice %arg2[%add3A, %dma_start3A, %dma_start3A_11] : memref<32x79x128xi32, #tpu.memory_space<hbm>> -> memref<1x79x128xi32, #tpu.memory_space<hbm>>
      %dma_start3A_13 = tpu.memref_squeeze %dma_start3A_12 : memref<1x79x128xi32, #tpu.memory_space<hbm>> -> memref<79x128xi32, #tpu.memory_space<hbm>>
      %dma_start3A_14 = arith.constant 0 : i32
      %dma_start3A_15 = arith.constant 0 : i32
      %dma_start3A_16 = tpu.memref_slice %arg2[%add3A, %dma_start3A_14, %dma_start3A_15] : memref<32x79x128xi32, #tpu.memory_space<hbm>> -> memref<1x79x128xi32, #tpu.memory_space<hbm>>
      %dma_start3A_17 = tpu.memref_squeeze %dma_start3A_16 : memref<1x79x128xi32, #tpu.memory_space<hbm>> -> memref<79x128xi32, #tpu.memory_space<hbm>>
      tpu.enqueue_dma source(%dma_start3A_17 : memref<79x128xi32, #tpu.memory_space<hbm>>) target(%arg6 : memref<79x128xi32, #tpu.memory_space<vmem>>) target_semaphore(%run_scoped3A : memref<!tpu.dma_semaphore, #tpu.memory_space<semaphore_mem>>)
      %dma_wait3A = arith.constant 0 : i32
      %dma_wait3A_18 = arith.constant 0 : i32
      %dma_wait3A_19 = tpu.memref_slice %arg2[%add3A, %dma_wait3A, %dma_wait3A_18] : memref<32x79x128xi32, #tpu.memory_space<hbm>> -> memref<1x79x128xi32, #tpu.memory_space<hbm>>
      %dma_wait3A_20 = tpu.memref_squeeze %dma_wait3A_19 : memref<1x79x128xi32, #tpu.memory_space<hbm>> -> memref<79x128xi32, #tpu.memory_space<hbm>>
      %dma_wait3A_21 = arith.constant 0 : i32
      %dma_wait3A_22 = arith.constant 0 : i32
      %dma_wait3A_23 = tpu.memref_slice %arg2[%add3A, %dma_wait3A_21, %dma_wait3A_22] : memref<32x79x128xi32, #tpu.memory_space<hbm>> -> memref<1x79x128xi32, #tpu.memory_space<hbm>>
      %dma_wait3A_24 = tpu.memref_squeeze %dma_wait3A_23 : memref<1x79x128xi32, #tpu.memory_space<hbm>> -> memref<79x128xi32, #tpu.memory_space<hbm>>
      tpu.wait_dma2 semaphore(%run_scoped3A : memref<!tpu.dma_semaphore, #tpu.memory_space<semaphore_mem>>) src(%dma_wait3A_24 : memref<79x128xi32, #tpu.memory_space<hbm>>) dst(%arg6 : memref<79x128xi32, #tpu.memory_space<vmem>>)
      tpu.yield
    }) : () -> ()
    "tpu.region"() ({
      %run_scoped3A = tpu.sem_alloc : memref<!tpu.dma_semaphore, #tpu.memory_space<semaphore_mem>>
      tpu.enqueue_dma source(%arg3 : memref<128x128xf32, #tpu.memory_space<hbm>>) target(%arg7 : memref<128x128xf32, #tpu.memory_space<vmem>>) target_semaphore(%run_scoped3A : memref<!tpu.dma_semaphore, #tpu.memory_space<semaphore_mem>>)
      tpu.wait_dma2 semaphore(%run_scoped3A : memref<!tpu.dma_semaphore, #tpu.memory_space<semaphore_mem>>) src(%arg3 : memref<128x128xf32, #tpu.memory_space<hbm>>) dst(%arg7 : memref<128x128xf32, #tpu.memory_space<vmem>>)
      tpu.yield
    }) : () -> ()
    %barrier3A = arith.constant 0 : index
    tpu.barrier barrier_id(%barrier3A)
    %scan3A = arith.constant 0 : i32
    %scan3A_3 = arith.constant 0 : i32
    %scan3A_4 = arith.constant 79 : i32
    %scan3A_5 = arith.addi %scan3A_3, %scan3A_4 : i32
    %scan3A_6 = arith.constant 1 : i32
    scf.for %scan3A_11 = %scan3A_3 to %scan3A_5 step %scan3A_6  : i32 {
      "tpu.region"() ({
        %run_scoped3A = tpu.sem_alloc : memref<!tpu.dma_semaphore, #tpu.memory_space<semaphore_mem>>
        %dma_start3A = arith.constant 0 : i32
        %dma_start3A_12 = tpu.memref_slice %arg6[%scan3A_11, %dma_start3A] : memref<79x128xi32, #tpu.memory_space<vmem>> -> memref<1x128xi32, #tpu.memory_space<vmem>>
        %dma_start3A_13 = tpu.memref_squeeze %dma_start3A_12 : memref<1x128xi32, #tpu.memory_space<vmem>> -> memref<128xi32, #tpu.memory_space<vmem>>
        %dma_start3A_14 = arith.constant 0 : i32
        %dma_start3A_15 = arith.constant 0 : i32
        %dma_start3A_16 = tpu.memref_slice %arg8[%dma_start3A_14, %dma_start3A_15] : memref<10512x128xf32, #tpu.memory_space<vmem_shared>> -> memref<10512x128xf32, #tpu.memory_space<vmem_shared>>
        tpu.enqueue_indirect_dma source(%arg7 : memref<128x128xf32, #tpu.memory_space<vmem>>) target(%dma_start3A_16 : memref<10512x128xf32, #tpu.memory_space<vmem_shared>>) offsets(%dma_start3A_13 : memref<128xi32, #tpu.memory_space<vmem>>) semaphore(%run_scoped3A : memref<!tpu.dma_semaphore, #tpu.memory_space<semaphore_mem>>) {add = true}
        %dma_wait3A = arith.constant 0 : i32
        %dma_wait3A_17 = tpu.memref_slice %arg6[%scan3A_11, %dma_wait3A] : memref<79x128xi32, #tpu.memory_space<vmem>> -> memref<1x128xi32, #tpu.memory_space<vmem>>
        %dma_wait3A_18 = tpu.memref_squeeze %dma_wait3A_17 : memref<1x128xi32, #tpu.memory_space<vmem>> -> memref<128xi32, #tpu.memory_space<vmem>>
        %dma_wait3A_19 = arith.constant 0 : i32
        %dma_wait3A_20 = arith.constant 0 : i32
        %dma_wait3A_21 = tpu.memref_slice %arg8[%dma_wait3A_19, %dma_wait3A_20] : memref<10512x128xf32, #tpu.memory_space<vmem_shared>> -> memref<10512x128xf32, #tpu.memory_space<vmem_shared>>
        tpu.wait_indirect_dma semaphore(%run_scoped3A : memref<!tpu.dma_semaphore, #tpu.memory_space<semaphore_mem>>) src(%arg7 : memref<128x128xf32, #tpu.memory_space<vmem>>) dst(%dma_wait3A_21 : memref<10512x128xf32, #tpu.memory_space<vmem_shared>>)
        tpu.yield
      }) : () -> ()
    }
    %scan3A_7 = arith.constant 79 : i32
    %barrier3A_8 = arith.constant 0 : index
    tpu.barrier barrier_id(%barrier3A_8)
    %mul3A_9 = arith.constant 657 : i32
    %mul3A_10 = arith.muli %arg1, %mul3A_9 : i32
    "tpu.region"() ({
      %run_scoped3A = tpu.sem_alloc : memref<!tpu.dma_semaphore, #tpu.memory_space<semaphore_mem>>
      %dma_start3A = arith.constant 0 : i32
      %dma_start3A_11 = arith.constant 0 : i32
      %dma_start3A_12 = tpu.memref_slice %arg5[%add3A, %dma_start3A, %dma_start3A_11] : memref<32x657x128xf32, #tpu.memory_space<hbm>> -> memref<1x657x128xf32, #tpu.memory_space<hbm>>
      %dma_start3A_13 = tpu.memref_squeeze %dma_start3A_12 : memref<1x657x128xf32, #tpu.memory_space<hbm>> -> memref<657x128xf32, #tpu.memory_space<hbm>>
      %dma_start3A_14 = arith.constant 0 : i32
      %dma_start3A_15 = tpu.memref_slice %arg8[%mul3A_10, %dma_start3A_14] : memref<10512x128xf32, #tpu.memory_space<vmem_shared>> -> memref<657x128xf32, #tpu.memory_space<vmem_shared>>
      tpu.enqueue_dma source(%dma_start3A_15 : memref<657x128xf32, #tpu.memory_space<vmem_shared>>) target(%dma_start3A_13 : memref<657x128xf32, #tpu.memory_space<hbm>>) target_semaphore(%run_scoped3A : memref<!tpu.dma_semaphore, #tpu.memory_space<semaphore_mem>>)
      %dma_wait3A = arith.constant 0 : i32
      %dma_wait3A_16 = arith.constant 0 : i32
      %dma_wait3A_17 = tpu.memref_slice %arg5[%add3A, %dma_wait3A, %dma_wait3A_16] : memref<32x657x128xf32, #tpu.memory_space<hbm>> -> memref<1x657x128xf32, #tpu.memory_space<hbm>>
      %dma_wait3A_18 = tpu.memref_squeeze %dma_wait3A_17 : memref<1x657x128xf32, #tpu.memory_space<hbm>> -> memref<657x128xf32, #tpu.memory_space<hbm>>
      %dma_wait3A_19 = arith.constant 0 : i32
      %dma_wait3A_20 = tpu.memref_slice %arg8[%mul3A_10, %dma_wait3A_19] : memref<10512x128xf32, #tpu.memory_space<vmem_shared>> -> memref<657x128xf32, #tpu.memory_space<vmem_shared>>
      tpu.wait_dma2 semaphore(%run_scoped3A : memref<!tpu.dma_semaphore, #tpu.memory_space<semaphore_mem>>) src(%dma_wait3A_20 : memref<657x128xf32, #tpu.memory_space<vmem_shared>>) dst(%dma_wait3A_18 : memref<657x128xf32, #tpu.memory_space<hbm>>)
      tpu.yield
    }) : () -> ()
    return
  }
}

#map = affine_map<(d0, d1) -> (0, 0)>
#map1 = affine_map<(d0, d1) -> (0, 0, 0)>
module attributes {stable_mosaic.version = 14 : i64} {
  func.func @_sc_agg(%arg0: i32, %arg1: i32, %arg2: memref<10000x128xf32, #tpu.memory_space<hbm>>, %arg3: memref<32x79x128xi32, #tpu.memory_space<hbm>>, %arg4: memref<32x79x128xi32, #tpu.memory_space<hbm>>, %arg5: memref<657x128xf32, #tpu.memory_space<hbm>>, %arg6: memref<32x657x128xf32, #tpu.memory_space<hbm>>, %arg7: memref<79x128xi32, #tpu.memory_space<vmem>>, %arg8: memref<79x128xi32, #tpu.memory_space<vmem>>, %arg9: memref<128x128xf32, #tpu.memory_space<vmem>>, %arg10: memref<10512x128xf32, #tpu.memory_space<vmem_shared>>, %arg11: memref<!tpu.dma_semaphore, #tpu.memory_space<semaphore_mem>>) attributes {dimension_semantics = [#tpu.dimension_semantics<core_parallel>, #tpu.dimension_semantics<subcore_parallel>], iteration_bounds = array<i64: 2, 16>, scalar_prefetch = 0 : i64, scratch_operands = 5 : i64, tpu.core_type = #tpu.core_type<sc_vector_subcore>, window_params = [{transform_indices = #map}, {transform_indices = #map1}, {transform_indices = #map1}, {transform_indices = #map}, {transform_indices = #map1}]} {
    %mul3A = arith.constant 16 : i32
    %mul3A_0 = arith.muli %arg0, %mul3A : i32
    %add3A = arith.addi %mul3A_0, %arg1 : i32
    %mul3A_1 = arith.constant 657 : i32
    %mul3A_2 = arith.muli %arg1, %mul3A_1 : i32
    "tpu.region"() ({
      %run_scoped3A = tpu.sem_alloc : memref<!tpu.dma_semaphore, #tpu.memory_space<semaphore_mem>>
      %dma_start3A = arith.constant 0 : i32
      %dma_start3A_11 = tpu.memref_slice %arg10[%mul3A_2, %dma_start3A] : memref<10512x128xf32, #tpu.memory_space<vmem_shared>> -> memref<657x128xf32, #tpu.memory_space<vmem_shared>>
      tpu.enqueue_dma source(%arg5 : memref<657x128xf32, #tpu.memory_space<hbm>>) target(%dma_start3A_11 : memref<657x128xf32, #tpu.memory_space<vmem_shared>>) target_semaphore(%run_scoped3A : memref<!tpu.dma_semaphore, #tpu.memory_space<semaphore_mem>>)
      %dma_wait3A = arith.constant 0 : i32
      %dma_wait3A_12 = tpu.memref_slice %arg10[%mul3A_2, %dma_wait3A] : memref<10512x128xf32, #tpu.memory_space<vmem_shared>> -> memref<657x128xf32, #tpu.memory_space<vmem_shared>>
      tpu.wait_dma2 semaphore(%run_scoped3A : memref<!tpu.dma_semaphore, #tpu.memory_space<semaphore_mem>>) src(%arg5 : memref<657x128xf32, #tpu.memory_space<hbm>>) dst(%dma_wait3A_12 : memref<657x128xf32, #tpu.memory_space<vmem_shared>>)
      tpu.yield
    }) : () -> ()
    "tpu.region"() ({
      %run_scoped3A = tpu.sem_alloc : memref<!tpu.dma_semaphore, #tpu.memory_space<semaphore_mem>>
      %dma_start3A = arith.constant 0 : i32
      %dma_start3A_11 = arith.constant 0 : i32
      %dma_start3A_12 = tpu.memref_slice %arg3[%add3A, %dma_start3A, %dma_start3A_11] : memref<32x79x128xi32, #tpu.memory_space<hbm>> -> memref<1x79x128xi32, #tpu.memory_space<hbm>>
      %dma_start3A_13 = tpu.memref_squeeze %dma_start3A_12 : memref<1x79x128xi32, #tpu.memory_space<hbm>> -> memref<79x128xi32, #tpu.memory_space<hbm>>
      %dma_start3A_14 = arith.constant 0 : i32
      %dma_start3A_15 = arith.constant 0 : i32
      %dma_start3A_16 = tpu.memref_slice %arg3[%add3A, %dma_start3A_14, %dma_start3A_15] : memref<32x79x128xi32, #tpu.memory_space<hbm>> -> memref<1x79x128xi32, #tpu.memory_space<hbm>>
      %dma_start3A_17 = tpu.memref_squeeze %dma_start3A_16 : memref<1x79x128xi32, #tpu.memory_space<hbm>> -> memref<79x128xi32, #tpu.memory_space<hbm>>
      tpu.enqueue_dma source(%dma_start3A_17 : memref<79x128xi32, #tpu.memory_space<hbm>>) target(%arg7 : memref<79x128xi32, #tpu.memory_space<vmem>>) target_semaphore(%run_scoped3A : memref<!tpu.dma_semaphore, #tpu.memory_space<semaphore_mem>>)
      %dma_wait3A = arith.constant 0 : i32
      %dma_wait3A_18 = arith.constant 0 : i32
      %dma_wait3A_19 = tpu.memref_slice %arg3[%add3A, %dma_wait3A, %dma_wait3A_18] : memref<32x79x128xi32, #tpu.memory_space<hbm>> -> memref<1x79x128xi32, #tpu.memory_space<hbm>>
      %dma_wait3A_20 = tpu.memref_squeeze %dma_wait3A_19 : memref<1x79x128xi32, #tpu.memory_space<hbm>> -> memref<79x128xi32, #tpu.memory_space<hbm>>
      %dma_wait3A_21 = arith.constant 0 : i32
      %dma_wait3A_22 = arith.constant 0 : i32
      %dma_wait3A_23 = tpu.memref_slice %arg3[%add3A, %dma_wait3A_21, %dma_wait3A_22] : memref<32x79x128xi32, #tpu.memory_space<hbm>> -> memref<1x79x128xi32, #tpu.memory_space<hbm>>
      %dma_wait3A_24 = tpu.memref_squeeze %dma_wait3A_23 : memref<1x79x128xi32, #tpu.memory_space<hbm>> -> memref<79x128xi32, #tpu.memory_space<hbm>>
      tpu.wait_dma2 semaphore(%run_scoped3A : memref<!tpu.dma_semaphore, #tpu.memory_space<semaphore_mem>>) src(%dma_wait3A_24 : memref<79x128xi32, #tpu.memory_space<hbm>>) dst(%arg7 : memref<79x128xi32, #tpu.memory_space<vmem>>)
      tpu.yield
    }) : () -> ()
    "tpu.region"() ({
      %run_scoped3A = tpu.sem_alloc : memref<!tpu.dma_semaphore, #tpu.memory_space<semaphore_mem>>
      %dma_start3A = arith.constant 0 : i32
      %dma_start3A_11 = arith.constant 0 : i32
      %dma_start3A_12 = tpu.memref_slice %arg4[%add3A, %dma_start3A, %dma_start3A_11] : memref<32x79x128xi32, #tpu.memory_space<hbm>> -> memref<1x79x128xi32, #tpu.memory_space<hbm>>
      %dma_start3A_13 = tpu.memref_squeeze %dma_start3A_12 : memref<1x79x128xi32, #tpu.memory_space<hbm>> -> memref<79x128xi32, #tpu.memory_space<hbm>>
      %dma_start3A_14 = arith.constant 0 : i32
      %dma_start3A_15 = arith.constant 0 : i32
      %dma_start3A_16 = tpu.memref_slice %arg4[%add3A, %dma_start3A_14, %dma_start3A_15] : memref<32x79x128xi32, #tpu.memory_space<hbm>> -> memref<1x79x128xi32, #tpu.memory_space<hbm>>
      %dma_start3A_17 = tpu.memref_squeeze %dma_start3A_16 : memref<1x79x128xi32, #tpu.memory_space<hbm>> -> memref<79x128xi32, #tpu.memory_space<hbm>>
      tpu.enqueue_dma source(%dma_start3A_17 : memref<79x128xi32, #tpu.memory_space<hbm>>) target(%arg8 : memref<79x128xi32, #tpu.memory_space<vmem>>) target_semaphore(%run_scoped3A : memref<!tpu.dma_semaphore, #tpu.memory_space<semaphore_mem>>)
      %dma_wait3A = arith.constant 0 : i32
      %dma_wait3A_18 = arith.constant 0 : i32
      %dma_wait3A_19 = tpu.memref_slice %arg4[%add3A, %dma_wait3A, %dma_wait3A_18] : memref<32x79x128xi32, #tpu.memory_space<hbm>> -> memref<1x79x128xi32, #tpu.memory_space<hbm>>
      %dma_wait3A_20 = tpu.memref_squeeze %dma_wait3A_19 : memref<1x79x128xi32, #tpu.memory_space<hbm>> -> memref<79x128xi32, #tpu.memory_space<hbm>>
      %dma_wait3A_21 = arith.constant 0 : i32
      %dma_wait3A_22 = arith.constant 0 : i32
      %dma_wait3A_23 = tpu.memref_slice %arg4[%add3A, %dma_wait3A_21, %dma_wait3A_22] : memref<32x79x128xi32, #tpu.memory_space<hbm>> -> memref<1x79x128xi32, #tpu.memory_space<hbm>>
      %dma_wait3A_24 = tpu.memref_squeeze %dma_wait3A_23 : memref<1x79x128xi32, #tpu.memory_space<hbm>> -> memref<79x128xi32, #tpu.memory_space<hbm>>
      tpu.wait_dma2 semaphore(%run_scoped3A : memref<!tpu.dma_semaphore, #tpu.memory_space<semaphore_mem>>) src(%dma_wait3A_24 : memref<79x128xi32, #tpu.memory_space<hbm>>) dst(%arg8 : memref<79x128xi32, #tpu.memory_space<vmem>>)
      tpu.yield
    }) : () -> ()
    %barrier3A = arith.constant 0 : index
    tpu.barrier barrier_id(%barrier3A)
    %scan3A = arith.constant 0 : i32
    %scan3A_3 = arith.constant 0 : i32
    %scan3A_4 = arith.constant 79 : i32
    %scan3A_5 = arith.addi %scan3A_3, %scan3A_4 : i32
    %scan3A_6 = arith.constant 1 : i32
    scf.for %scan3A_11 = %scan3A_3 to %scan3A_5 step %scan3A_6  : i32 {
      %dma_start3A = arith.constant 0 : i32
      %dma_start3A_12 = tpu.memref_slice %arg7[%scan3A_11, %dma_start3A] : memref<79x128xi32, #tpu.memory_space<vmem>> -> memref<1x128xi32, #tpu.memory_space<vmem>>
      %dma_start3A_13 = tpu.memref_squeeze %dma_start3A_12 : memref<1x128xi32, #tpu.memory_space<vmem>> -> memref<128xi32, #tpu.memory_space<vmem>>
      %dma_start3A_14 = arith.constant 0 : i32
      %dma_start3A_15 = arith.constant 0 : i32
      %dma_start3A_16 = tpu.memref_slice %arg2[%dma_start3A_14, %dma_start3A_15] : memref<10000x128xf32, #tpu.memory_space<hbm>> -> memref<10000x128xf32, #tpu.memory_space<hbm>>
      tpu.enqueue_indirect_dma source(%dma_start3A_16 : memref<10000x128xf32, #tpu.memory_space<hbm>>) target(%arg9 : memref<128x128xf32, #tpu.memory_space<vmem>>) offsets(%dma_start3A_13 : memref<128xi32, #tpu.memory_space<vmem>>) semaphore(%arg11 : memref<!tpu.dma_semaphore, #tpu.memory_space<semaphore_mem>>)
      %dma_wait3A = arith.constant 0 : i32
      %dma_wait3A_17 = tpu.memref_slice %arg7[%scan3A_11, %dma_wait3A] : memref<79x128xi32, #tpu.memory_space<vmem>> -> memref<1x128xi32, #tpu.memory_space<vmem>>
      %dma_wait3A_18 = tpu.memref_squeeze %dma_wait3A_17 : memref<1x128xi32, #tpu.memory_space<vmem>> -> memref<128xi32, #tpu.memory_space<vmem>>
      %dma_wait3A_19 = arith.constant 0 : i32
      %dma_wait3A_20 = arith.constant 0 : i32
      %dma_wait3A_21 = tpu.memref_slice %arg2[%dma_wait3A_19, %dma_wait3A_20] : memref<10000x128xf32, #tpu.memory_space<hbm>> -> memref<10000x128xf32, #tpu.memory_space<hbm>>
      tpu.wait_indirect_dma semaphore(%arg11 : memref<!tpu.dma_semaphore, #tpu.memory_space<semaphore_mem>>) src(%dma_wait3A_21 : memref<10000x128xf32, #tpu.memory_space<hbm>>) dst(%arg9 : memref<128x128xf32, #tpu.memory_space<vmem>>)
      "tpu.region"() ({
        %run_scoped3A = tpu.sem_alloc : memref<!tpu.dma_semaphore, #tpu.memory_space<semaphore_mem>>
        %dma_start3A_22 = arith.constant 0 : i32
        %dma_start3A_23 = tpu.memref_slice %arg8[%scan3A_11, %dma_start3A_22] : memref<79x128xi32, #tpu.memory_space<vmem>> -> memref<1x128xi32, #tpu.memory_space<vmem>>
        %dma_start3A_24 = tpu.memref_squeeze %dma_start3A_23 : memref<1x128xi32, #tpu.memory_space<vmem>> -> memref<128xi32, #tpu.memory_space<vmem>>
        %dma_start3A_25 = arith.constant 0 : i32
        %dma_start3A_26 = arith.constant 0 : i32
        %dma_start3A_27 = tpu.memref_slice %arg10[%dma_start3A_25, %dma_start3A_26] : memref<10512x128xf32, #tpu.memory_space<vmem_shared>> -> memref<10512x128xf32, #tpu.memory_space<vmem_shared>>
        tpu.enqueue_indirect_dma source(%arg9 : memref<128x128xf32, #tpu.memory_space<vmem>>) target(%dma_start3A_27 : memref<10512x128xf32, #tpu.memory_space<vmem_shared>>) offsets(%dma_start3A_24 : memref<128xi32, #tpu.memory_space<vmem>>) semaphore(%run_scoped3A : memref<!tpu.dma_semaphore, #tpu.memory_space<semaphore_mem>>) {add = true}
        %dma_wait3A_28 = arith.constant 0 : i32
        %dma_wait3A_29 = tpu.memref_slice %arg8[%scan3A_11, %dma_wait3A_28] : memref<79x128xi32, #tpu.memory_space<vmem>> -> memref<1x128xi32, #tpu.memory_space<vmem>>
        %dma_wait3A_30 = tpu.memref_squeeze %dma_wait3A_29 : memref<1x128xi32, #tpu.memory_space<vmem>> -> memref<128xi32, #tpu.memory_space<vmem>>
        %dma_wait3A_31 = arith.constant 0 : i32
        %dma_wait3A_32 = arith.constant 0 : i32
        %dma_wait3A_33 = tpu.memref_slice %arg10[%dma_wait3A_31, %dma_wait3A_32] : memref<10512x128xf32, #tpu.memory_space<vmem_shared>> -> memref<10512x128xf32, #tpu.memory_space<vmem_shared>>
        tpu.wait_indirect_dma semaphore(%run_scoped3A : memref<!tpu.dma_semaphore, #tpu.memory_space<semaphore_mem>>) src(%arg9 : memref<128x128xf32, #tpu.memory_space<vmem>>) dst(%dma_wait3A_33 : memref<10512x128xf32, #tpu.memory_space<vmem_shared>>)
        tpu.yield
      }) : () -> ()
    }
    %scan3A_7 = arith.constant 79 : i32
    %barrier3A_8 = arith.constant 0 : index
    tpu.barrier barrier_id(%barrier3A_8)
    %mul3A_9 = arith.constant 657 : i32
    %mul3A_10 = arith.muli %arg1, %mul3A_9 : i32
    "tpu.region"() ({
      %run_scoped3A = tpu.sem_alloc : memref<!tpu.dma_semaphore, #tpu.memory_space<semaphore_mem>>
      %dma_start3A = arith.constant 0 : i32
      %dma_start3A_11 = arith.constant 0 : i32
      %dma_start3A_12 = tpu.memref_slice %arg6[%add3A, %dma_start3A, %dma_start3A_11] : memref<32x657x128xf32, #tpu.memory_space<hbm>> -> memref<1x657x128xf32, #tpu.memory_space<hbm>>
      %dma_start3A_13 = tpu.memref_squeeze %dma_start3A_12 : memref<1x657x128xf32, #tpu.memory_space<hbm>> -> memref<657x128xf32, #tpu.memory_space<hbm>>
      %dma_start3A_14 = arith.constant 0 : i32
      %dma_start3A_15 = tpu.memref_slice %arg10[%mul3A_10, %dma_start3A_14] : memref<10512x128xf32, #tpu.memory_space<vmem_shared>> -> memref<657x128xf32, #tpu.memory_space<vmem_shared>>
      tpu.enqueue_dma source(%dma_start3A_15 : memref<657x128xf32, #tpu.memory_space<vmem_shared>>) target(%dma_start3A_13 : memref<657x128xf32, #tpu.memory_space<hbm>>) target_semaphore(%run_scoped3A : memref<!tpu.dma_semaphore, #tpu.memory_space<semaphore_mem>>)
      %dma_wait3A = arith.constant 0 : i32
      %dma_wait3A_16 = arith.constant 0 : i32
      %dma_wait3A_17 = tpu.memref_slice %arg6[%add3A, %dma_wait3A, %dma_wait3A_16] : memref<32x657x128xf32, #tpu.memory_space<hbm>> -> memref<1x657x128xf32, #tpu.memory_space<hbm>>
      %dma_wait3A_18 = tpu.memref_squeeze %dma_wait3A_17 : memref<1x657x128xf32, #tpu.memory_space<hbm>> -> memref<657x128xf32, #tpu.memory_space<hbm>>
      %dma_wait3A_19 = arith.constant 0 : i32
      %dma_wait3A_20 = tpu.memref_slice %arg10[%mul3A_10, %dma_wait3A_19] : memref<10512x128xf32, #tpu.memory_space<vmem_shared>> -> memref<657x128xf32, #tpu.memory_space<vmem_shared>>
      tpu.wait_dma2 semaphore(%run_scoped3A : memref<!tpu.dma_semaphore, #tpu.memory_space<semaphore_mem>>) src(%dma_wait3A_20 : memref<657x128xf32, #tpu.memory_space<vmem_shared>>) dst(%dma_wait3A_18 : memref<657x128xf32, #tpu.memory_space<hbm>>)
      tpu.yield
    }) : () -> ()
    return
  }
}

#map = affine_map<(d0, d1) -> (0, 0)>
#map1 = affine_map<(d0, d1) -> (0, 0, 0)>
module attributes {stable_mosaic.version = 14 : i64} {
  func.func @_sc_agg(%arg0: i32, %arg1: i32, %arg2: memref<10000x128xf32, #tpu.memory_space<hbm>>, %arg3: memref<32x79x128xi32, #tpu.memory_space<hbm>>, %arg4: memref<32x79x128xi32, #tpu.memory_space<hbm>>, %arg5: memref<657x128xf32, #tpu.memory_space<hbm>>, %arg6: memref<32x657x128xf32, #tpu.memory_space<hbm>>, %arg7: memref<79x128xi32, #tpu.memory_space<vmem>>, %arg8: memref<79x128xi32, #tpu.memory_space<vmem>>, %arg9: memref<128x128xf32, #tpu.memory_space<vmem>>, %arg10: memref<10512x128xf32, #tpu.memory_space<vmem_shared>>, %arg11: memref<!tpu.dma_semaphore, #tpu.memory_space<semaphore_mem>>) attributes {dimension_semantics = [#tpu.dimension_semantics<core_parallel>, #tpu.dimension_semantics<subcore_parallel>], iteration_bounds = array<i64: 2, 16>, scalar_prefetch = 0 : i64, scratch_operands = 5 : i64, tpu.core_type = #tpu.core_type<sc_vector_subcore>, window_params = [{transform_indices = #map}, {transform_indices = #map1}, {transform_indices = #map1}, {transform_indices = #map}, {transform_indices = #map1}]} {
    %mul3A = arith.constant 16 : i32
    %mul3A_0 = arith.muli %arg0, %mul3A : i32
    %add3A = arith.addi %mul3A_0, %arg1 : i32
    %mul3A_1 = arith.constant 657 : i32
    %mul3A_2 = arith.muli %arg1, %mul3A_1 : i32
    "tpu.region"() ({
      %run_scoped3A = tpu.sem_alloc : memref<!tpu.dma_semaphore, #tpu.memory_space<semaphore_mem>>
      %dma_start3A = arith.constant 0 : i32
      %dma_start3A_11 = tpu.memref_slice %arg10[%mul3A_2, %dma_start3A] : memref<10512x128xf32, #tpu.memory_space<vmem_shared>> -> memref<657x128xf32, #tpu.memory_space<vmem_shared>>
      tpu.enqueue_dma source(%arg5 : memref<657x128xf32, #tpu.memory_space<hbm>>) target(%dma_start3A_11 : memref<657x128xf32, #tpu.memory_space<vmem_shared>>) target_semaphore(%run_scoped3A : memref<!tpu.dma_semaphore, #tpu.memory_space<semaphore_mem>>)
      %dma_wait3A = arith.constant 0 : i32
      %dma_wait3A_12 = tpu.memref_slice %arg10[%mul3A_2, %dma_wait3A] : memref<10512x128xf32, #tpu.memory_space<vmem_shared>> -> memref<657x128xf32, #tpu.memory_space<vmem_shared>>
      tpu.wait_dma2 semaphore(%run_scoped3A : memref<!tpu.dma_semaphore, #tpu.memory_space<semaphore_mem>>) src(%arg5 : memref<657x128xf32, #tpu.memory_space<hbm>>) dst(%dma_wait3A_12 : memref<657x128xf32, #tpu.memory_space<vmem_shared>>)
      tpu.yield
    }) : () -> ()
    "tpu.region"() ({
      %run_scoped3A = tpu.sem_alloc : memref<!tpu.dma_semaphore, #tpu.memory_space<semaphore_mem>>
      %dma_start3A = arith.constant 0 : i32
      %dma_start3A_11 = arith.constant 0 : i32
      %dma_start3A_12 = tpu.memref_slice %arg3[%add3A, %dma_start3A, %dma_start3A_11] : memref<32x79x128xi32, #tpu.memory_space<hbm>> -> memref<1x79x128xi32, #tpu.memory_space<hbm>>
      %dma_start3A_13 = tpu.memref_squeeze %dma_start3A_12 : memref<1x79x128xi32, #tpu.memory_space<hbm>> -> memref<79x128xi32, #tpu.memory_space<hbm>>
      %dma_start3A_14 = arith.constant 0 : i32
      %dma_start3A_15 = arith.constant 0 : i32
      %dma_start3A_16 = tpu.memref_slice %arg3[%add3A, %dma_start3A_14, %dma_start3A_15] : memref<32x79x128xi32, #tpu.memory_space<hbm>> -> memref<1x79x128xi32, #tpu.memory_space<hbm>>
      %dma_start3A_17 = tpu.memref_squeeze %dma_start3A_16 : memref<1x79x128xi32, #tpu.memory_space<hbm>> -> memref<79x128xi32, #tpu.memory_space<hbm>>
      tpu.enqueue_dma source(%dma_start3A_17 : memref<79x128xi32, #tpu.memory_space<hbm>>) target(%arg7 : memref<79x128xi32, #tpu.memory_space<vmem>>) target_semaphore(%run_scoped3A : memref<!tpu.dma_semaphore, #tpu.memory_space<semaphore_mem>>)
      %dma_wait3A = arith.constant 0 : i32
      %dma_wait3A_18 = arith.constant 0 : i32
      %dma_wait3A_19 = tpu.memref_slice %arg3[%add3A, %dma_wait3A, %dma_wait3A_18] : memref<32x79x128xi32, #tpu.memory_space<hbm>> -> memref<1x79x128xi32, #tpu.memory_space<hbm>>
      %dma_wait3A_20 = tpu.memref_squeeze %dma_wait3A_19 : memref<1x79x128xi32, #tpu.memory_space<hbm>> -> memref<79x128xi32, #tpu.memory_space<hbm>>
      %dma_wait3A_21 = arith.constant 0 : i32
      %dma_wait3A_22 = arith.constant 0 : i32
      %dma_wait3A_23 = tpu.memref_slice %arg3[%add3A, %dma_wait3A_21, %dma_wait3A_22] : memref<32x79x128xi32, #tpu.memory_space<hbm>> -> memref<1x79x128xi32, #tpu.memory_space<hbm>>
      %dma_wait3A_24 = tpu.memref_squeeze %dma_wait3A_23 : memref<1x79x128xi32, #tpu.memory_space<hbm>> -> memref<79x128xi32, #tpu.memory_space<hbm>>
      tpu.wait_dma2 semaphore(%run_scoped3A : memref<!tpu.dma_semaphore, #tpu.memory_space<semaphore_mem>>) src(%dma_wait3A_24 : memref<79x128xi32, #tpu.memory_space<hbm>>) dst(%arg7 : memref<79x128xi32, #tpu.memory_space<vmem>>)
      tpu.yield
    }) : () -> ()
    "tpu.region"() ({
      %run_scoped3A = tpu.sem_alloc : memref<!tpu.dma_semaphore, #tpu.memory_space<semaphore_mem>>
      %dma_start3A = arith.constant 0 : i32
      %dma_start3A_11 = arith.constant 0 : i32
      %dma_start3A_12 = tpu.memref_slice %arg4[%add3A, %dma_start3A, %dma_start3A_11] : memref<32x79x128xi32, #tpu.memory_space<hbm>> -> memref<1x79x128xi32, #tpu.memory_space<hbm>>
      %dma_start3A_13 = tpu.memref_squeeze %dma_start3A_12 : memref<1x79x128xi32, #tpu.memory_space<hbm>> -> memref<79x128xi32, #tpu.memory_space<hbm>>
      %dma_start3A_14 = arith.constant 0 : i32
      %dma_start3A_15 = arith.constant 0 : i32
      %dma_start3A_16 = tpu.memref_slice %arg4[%add3A, %dma_start3A_14, %dma_start3A_15] : memref<32x79x128xi32, #tpu.memory_space<hbm>> -> memref<1x79x128xi32, #tpu.memory_space<hbm>>
      %dma_start3A_17 = tpu.memref_squeeze %dma_start3A_16 : memref<1x79x128xi32, #tpu.memory_space<hbm>> -> memref<79x128xi32, #tpu.memory_space<hbm>>
      tpu.enqueue_dma source(%dma_start3A_17 : memref<79x128xi32, #tpu.memory_space<hbm>>) target(%arg8 : memref<79x128xi32, #tpu.memory_space<vmem>>) target_semaphore(%run_scoped3A : memref<!tpu.dma_semaphore, #tpu.memory_space<semaphore_mem>>)
      %dma_wait3A = arith.constant 0 : i32
      %dma_wait3A_18 = arith.constant 0 : i32
      %dma_wait3A_19 = tpu.memref_slice %arg4[%add3A, %dma_wait3A, %dma_wait3A_18] : memref<32x79x128xi32, #tpu.memory_space<hbm>> -> memref<1x79x128xi32, #tpu.memory_space<hbm>>
      %dma_wait3A_20 = tpu.memref_squeeze %dma_wait3A_19 : memref<1x79x128xi32, #tpu.memory_space<hbm>> -> memref<79x128xi32, #tpu.memory_space<hbm>>
      %dma_wait3A_21 = arith.constant 0 : i32
      %dma_wait3A_22 = arith.constant 0 : i32
      %dma_wait3A_23 = tpu.memref_slice %arg4[%add3A, %dma_wait3A_21, %dma_wait3A_22] : memref<32x79x128xi32, #tpu.memory_space<hbm>> -> memref<1x79x128xi32, #tpu.memory_space<hbm>>
      %dma_wait3A_24 = tpu.memref_squeeze %dma_wait3A_23 : memref<1x79x128xi32, #tpu.memory_space<hbm>> -> memref<79x128xi32, #tpu.memory_space<hbm>>
      tpu.wait_dma2 semaphore(%run_scoped3A : memref<!tpu.dma_semaphore, #tpu.memory_space<semaphore_mem>>) src(%dma_wait3A_24 : memref<79x128xi32, #tpu.memory_space<hbm>>) dst(%arg8 : memref<79x128xi32, #tpu.memory_space<vmem>>)
      tpu.yield
    }) : () -> ()
    %barrier3A = arith.constant 0 : index
    tpu.barrier barrier_id(%barrier3A)
    %scan3A = arith.constant 0 : i32
    %scan3A_3 = arith.constant 0 : i32
    %scan3A_4 = arith.constant 79 : i32
    %scan3A_5 = arith.addi %scan3A_3, %scan3A_4 : i32
    %scan3A_6 = arith.constant 1 : i32
    scf.for %scan3A_11 = %scan3A_3 to %scan3A_5 step %scan3A_6  : i32 {
      %dma_start3A = arith.constant 0 : i32
      %dma_start3A_12 = tpu.memref_slice %arg7[%scan3A_11, %dma_start3A] : memref<79x128xi32, #tpu.memory_space<vmem>> -> memref<1x128xi32, #tpu.memory_space<vmem>>
      %dma_start3A_13 = tpu.memref_squeeze %dma_start3A_12 : memref<1x128xi32, #tpu.memory_space<vmem>> -> memref<128xi32, #tpu.memory_space<vmem>>
      %dma_start3A_14 = arith.constant 0 : i32
      %dma_start3A_15 = arith.constant 0 : i32
      %dma_start3A_16 = tpu.memref_slice %arg2[%dma_start3A_14, %dma_start3A_15] : memref<10000x128xf32, #tpu.memory_space<hbm>> -> memref<10000x128xf32, #tpu.memory_space<hbm>>
      tpu.enqueue_indirect_dma source(%dma_start3A_16 : memref<10000x128xf32, #tpu.memory_space<hbm>>) target(%arg9 : memref<128x128xf32, #tpu.memory_space<vmem>>) offsets(%dma_start3A_13 : memref<128xi32, #tpu.memory_space<vmem>>) semaphore(%arg11 : memref<!tpu.dma_semaphore, #tpu.memory_space<semaphore_mem>>)
      %dma_wait3A = arith.constant 0 : i32
      %dma_wait3A_17 = tpu.memref_slice %arg7[%scan3A_11, %dma_wait3A] : memref<79x128xi32, #tpu.memory_space<vmem>> -> memref<1x128xi32, #tpu.memory_space<vmem>>
      %dma_wait3A_18 = tpu.memref_squeeze %dma_wait3A_17 : memref<1x128xi32, #tpu.memory_space<vmem>> -> memref<128xi32, #tpu.memory_space<vmem>>
      %dma_wait3A_19 = arith.constant 0 : i32
      %dma_wait3A_20 = arith.constant 0 : i32
      %dma_wait3A_21 = tpu.memref_slice %arg2[%dma_wait3A_19, %dma_wait3A_20] : memref<10000x128xf32, #tpu.memory_space<hbm>> -> memref<10000x128xf32, #tpu.memory_space<hbm>>
      tpu.wait_indirect_dma semaphore(%arg11 : memref<!tpu.dma_semaphore, #tpu.memory_space<semaphore_mem>>) src(%dma_wait3A_21 : memref<10000x128xf32, #tpu.memory_space<hbm>>) dst(%arg9 : memref<128x128xf32, #tpu.memory_space<vmem>>)
      "tpu.region"() ({
        %run_scoped3A = tpu.sem_alloc : memref<!tpu.dma_semaphore, #tpu.memory_space<semaphore_mem>>
        %dma_start3A_22 = arith.constant 0 : i32
        %dma_start3A_23 = tpu.memref_slice %arg8[%scan3A_11, %dma_start3A_22] : memref<79x128xi32, #tpu.memory_space<vmem>> -> memref<1x128xi32, #tpu.memory_space<vmem>>
        %dma_start3A_24 = tpu.memref_squeeze %dma_start3A_23 : memref<1x128xi32, #tpu.memory_space<vmem>> -> memref<128xi32, #tpu.memory_space<vmem>>
        %dma_start3A_25 = arith.constant 0 : i32
        %dma_start3A_26 = arith.constant 0 : i32
        %dma_start3A_27 = tpu.memref_slice %arg10[%dma_start3A_25, %dma_start3A_26] : memref<10512x128xf32, #tpu.memory_space<vmem_shared>> -> memref<10512x128xf32, #tpu.memory_space<vmem_shared>>
        tpu.enqueue_indirect_dma source(%arg9 : memref<128x128xf32, #tpu.memory_space<vmem>>) target(%dma_start3A_27 : memref<10512x128xf32, #tpu.memory_space<vmem_shared>>) offsets(%dma_start3A_24 : memref<128xi32, #tpu.memory_space<vmem>>) semaphore(%run_scoped3A : memref<!tpu.dma_semaphore, #tpu.memory_space<semaphore_mem>>) {add = true}
        %dma_wait3A_28 = arith.constant 0 : i32
        %dma_wait3A_29 = tpu.memref_slice %arg8[%scan3A_11, %dma_wait3A_28] : memref<79x128xi32, #tpu.memory_space<vmem>> -> memref<1x128xi32, #tpu.memory_space<vmem>>
        %dma_wait3A_30 = tpu.memref_squeeze %dma_wait3A_29 : memref<1x128xi32, #tpu.memory_space<vmem>> -> memref<128xi32, #tpu.memory_space<vmem>>
        %dma_wait3A_31 = arith.constant 0 : i32
        %dma_wait3A_32 = arith.constant 0 : i32
        %dma_wait3A_33 = tpu.memref_slice %arg10[%dma_wait3A_31, %dma_wait3A_32] : memref<10512x128xf32, #tpu.memory_space<vmem_shared>> -> memref<10512x128xf32, #tpu.memory_space<vmem_shared>>
        tpu.wait_indirect_dma semaphore(%run_scoped3A : memref<!tpu.dma_semaphore, #tpu.memory_space<semaphore_mem>>) src(%arg9 : memref<128x128xf32, #tpu.memory_space<vmem>>) dst(%dma_wait3A_33 : memref<10512x128xf32, #tpu.memory_space<vmem_shared>>)
        tpu.yield
      }) : () -> ()
    }
    %scan3A_7 = arith.constant 79 : i32
    %barrier3A_8 = arith.constant 0 : index
    tpu.barrier barrier_id(%barrier3A_8)
    %mul3A_9 = arith.constant 657 : i32
    %mul3A_10 = arith.muli %arg1, %mul3A_9 : i32
    "tpu.region"() ({
      %run_scoped3A = tpu.sem_alloc : memref<!tpu.dma_semaphore, #tpu.memory_space<semaphore_mem>>
      %dma_start3A = arith.constant 0 : i32
      %dma_start3A_11 = arith.constant 0 : i32
      %dma_start3A_12 = tpu.memref_slice %arg6[%add3A, %dma_start3A, %dma_start3A_11] : memref<32x657x128xf32, #tpu.memory_space<hbm>> -> memref<1x657x128xf32, #tpu.memory_space<hbm>>
      %dma_start3A_13 = tpu.memref_squeeze %dma_start3A_12 : memref<1x657x128xf32, #tpu.memory_space<hbm>> -> memref<657x128xf32, #tpu.memory_space<hbm>>
      %dma_start3A_14 = arith.constant 0 : i32
      %dma_start3A_15 = tpu.memref_slice %arg10[%mul3A_10, %dma_start3A_14] : memref<10512x128xf32, #tpu.memory_space<vmem_shared>> -> memref<657x128xf32, #tpu.memory_space<vmem_shared>>
      tpu.enqueue_dma source(%dma_start3A_15 : memref<657x128xf32, #tpu.memory_space<vmem_shared>>) target(%dma_start3A_13 : memref<657x128xf32, #tpu.memory_space<hbm>>) target_semaphore(%run_scoped3A : memref<!tpu.dma_semaphore, #tpu.memory_space<semaphore_mem>>)
      %dma_wait3A = arith.constant 0 : i32
      %dma_wait3A_16 = arith.constant 0 : i32
      %dma_wait3A_17 = tpu.memref_slice %arg6[%add3A, %dma_wait3A, %dma_wait3A_16] : memref<32x657x128xf32, #tpu.memory_space<hbm>> -> memref<1x657x128xf32, #tpu.memory_space<hbm>>
      %dma_wait3A_18 = tpu.memref_squeeze %dma_wait3A_17 : memref<1x657x128xf32, #tpu.memory_space<hbm>> -> memref<657x128xf32, #tpu.memory_space<hbm>>
      %dma_wait3A_19 = arith.constant 0 : i32
      %dma_wait3A_20 = tpu.memref_slice %arg10[%mul3A_10, %dma_wait3A_19] : memref<10512x128xf32, #tpu.memory_space<vmem_shared>> -> memref<657x128xf32, #tpu.memory_space<vmem_shared>>
      tpu.wait_dma2 semaphore(%run_scoped3A : memref<!tpu.dma_semaphore, #tpu.memory_space<semaphore_mem>>) src(%dma_wait3A_20 : memref<657x128xf32, #tpu.memory_space<vmem_shared>>) dst(%dma_wait3A_18 : memref<657x128xf32, #tpu.memory_space<hbm>>)
      tpu.yield
    }) : () -> ()
    return
  }
}

module attributes {stable_mosaic.version = 14 : i64} {
  func.func @_tc_in_body(%arg0: i32, %arg1: memref<1000x128xf32, #tpu.memory_space<vmem>>, %arg2: memref<128x128xf32, #tpu.memory_space<vmem>>, %arg3: memref<1x128xf32, #tpu.memory_space<vmem>>, %arg4: memref<1000x128xf32, #tpu.memory_space<vmem>>) attributes {dimension_semantics = [#tpu.dimension_semantics<arbitrary>], iteration_bounds = array<i64: 10>, scalar_prefetch = 0 : i64, scratch_operands = 0 : i64, tpu.core_type = #tpu.core_type<tc>, window_params = [{transform_indices = @transform_0, window_bounds = array<i64: 1000, 128>}, {pipeline_mode = #tpu.pipeline_mode<synchronous>, transform_indices = @transform_1, window_bounds = array<i64: 128, 128>}, {pipeline_mode = #tpu.pipeline_mode<synchronous>, transform_indices = @transform_2, window_bounds = array<i64: 1, 128>}, {transform_indices = @transform_3, window_bounds = array<i64: 1000, 128>}]} {
    %get3A = arith.constant 0 : index
    %get3A_0 = arith.constant 0 : index
    %get3A_1 = vector.load %arg1[%get3A, %get3A_0] : memref<1000x128xf32, #tpu.memory_space<vmem>>, vector<1000x128xf32>
    %get3A_2 = arith.constant 0 : index
    %get3A_3 = arith.constant 0 : index
    %get3A_4 = vector.load %arg2[%get3A_2, %get3A_3] : memref<128x128xf32, #tpu.memory_space<vmem>>, vector<128x128xf32>
    %dot_general3A = arith.constant dense<0.000000e+00> : vector<1000x128xf32>
    %dot_general3A_5 = tpu.matmul %get3A_1, %get3A_4, %dot_general3A {dimension_numbers = #tpu.dot_dimension_numbers<[1], [0], [0], [1], [0, 0, 1, 1], [], []>, transpose_lhs_hint = false} : vector<1000x128xf32>, vector<128x128xf32>, vector<1000x128xf32> -> vector<1000x128xf32>
    %get3A_6 = arith.constant 0 : index
    %get3A_7 = arith.constant 0 : index
    %get3A_8 = vector.load %arg3[%get3A_6, %get3A_7] : memref<1x128xf32, #tpu.memory_space<vmem>>, vector<1x128xf32>
    %add3A = vector.broadcast %get3A_8 : vector<1x128xf32> to vector<1000x128xf32>
    %add3A_9 = arith.addf %dot_general3A_5, %add3A : vector<1000x128xf32>
    %swap3A = arith.constant 0 : index
    %swap3A_10 = arith.constant 0 : index
    %swap3A_11 = vector.load %arg4[%swap3A, %swap3A_10] : memref<1000x128xf32, #tpu.memory_space<vmem>>, vector<1000x128xf32>
    tpu.vector_store %arg4[%swap3A, %swap3A_10], %add3A_9 {strides = array<i32>} : memref<1000x128xf32, #tpu.memory_space<vmem>>, vector<1000x128xf32>,
    return
  }
  func.func @transform_0(%arg0: i32) -> (i32, i32) {
    %c0_i32 = arith.constant 0 : i32
    %c0_i32_0 = arith.constant 0 : i32
    return %arg0, %c0_i32 : i32, i32
  }
  func.func @transform_1(%arg0: i32) -> (i32, i32) {
    %c0_i32 = arith.constant 0 : i32
    %c0_i32_0 = arith.constant 0 : i32
    %c0_i32_1 = arith.constant 0 : i32
    return %c0_i32, %c0_i32_0 : i32, i32
  }
  func.func @transform_2(%arg0: i32) -> (i32, i32) {
    %c0_i32 = arith.constant 0 : i32
    %c0_i32_0 = arith.constant 0 : i32
    %c0_i32_1 = arith.constant 0 : i32
    return %c0_i32, %c0_i32_0 : i32, i32
  }
  func.func @transform_3(%arg0: i32) -> (i32, i32) {
    %c0_i32 = arith.constant 0 : i32
    %c0_i32_0 = arith.constant 0 : i32
    return %arg0, %c0_i32 : i32, i32
  }
}

module attributes {stable_mosaic.version = 14 : i64} {
  func.func @_tc_layer_body(%arg0: i32, %arg1: memref<1000x128xf32, #tpu.memory_space<vmem>>, %arg2: memref<2x1000x128xf32, #tpu.memory_space<vmem>>, %arg3: memref<2x1000x128xf32, #tpu.memory_space<vmem>>, %arg4: memref<128x128xf32, #tpu.memory_space<vmem>>, %arg5: memref<1x128xf32, #tpu.memory_space<vmem>>, %arg6: memref<128x128xf32, #tpu.memory_space<vmem>>, %arg7: memref<1000x128xf32, #tpu.memory_space<vmem>>) attributes {dimension_semantics = [#tpu.dimension_semantics<arbitrary>], iteration_bounds = array<i64: 10>, scalar_prefetch = 0 : i64, scratch_operands = 0 : i64, tpu.core_type = #tpu.core_type<tc>, window_params = [{transform_indices = @transform_0, window_bounds = array<i64: 1000, 128>}, {transform_indices = @transform_1, window_bounds = array<i64: 2, 1000, 128>}, {transform_indices = @transform_2, window_bounds = array<i64: 2, 1000, 128>}, {pipeline_mode = #tpu.pipeline_mode<synchronous>, transform_indices = @transform_3, window_bounds = array<i64: 128, 128>}, {pipeline_mode = #tpu.pipeline_mode<synchronous>, transform_indices = @transform_4, window_bounds = array<i64: 1, 128>}, {pipeline_mode = #tpu.pipeline_mode<synchronous>, transform_indices = @transform_5, window_bounds = array<i64: 128, 128>}, {transform_indices = @transform_6, window_bounds = array<i64: 1000, 128>}]} {
    %get3A = arith.constant 0 : index
    %get3A_0 = arith.constant 0 : index
    %get3A_1 = arith.constant 0 : index
    %get3A_2 = vector.load %arg2[%get3A, %get3A_0, %get3A_1] : memref<2x1000x128xf32, #tpu.memory_space<vmem>>, vector<1x1000x128xf32>
    %get3A_3 = vector.shape_cast %get3A_2 : vector<1x1000x128xf32> to vector<1000x128xf32>
    %get3A_4 = arith.constant 1 : index
    %get3A_5 = arith.constant 0 : index
    %get3A_6 = arith.constant 0 : index
    %get3A_7 = vector.load %arg2[%get3A_4, %get3A_5, %get3A_6] : memref<2x1000x128xf32, #tpu.memory_space<vmem>>, vector<1x1000x128xf32>
    %get3A_8 = vector.shape_cast %get3A_7 : vector<1x1000x128xf32> to vector<1000x128xf32>
    %add3A = arith.addf %get3A_3, %get3A_8 : vector<1000x128xf32>
    %get3A_9 = arith.constant 0 : index
    %get3A_10 = arith.constant 0 : index
    %get3A_11 = arith.constant 0 : index
    %get3A_12 = vector.load %arg3[%get3A_9, %get3A_10, %get3A_11] : memref<2x1000x128xf32, #tpu.memory_space<vmem>>, vector<1x1000x1xf32>
    %get3A_13 = vector.shape_cast %get3A_12 : vector<1x1000x1xf32> to vector<1000x1xf32>
    %get3A_14 = arith.constant 1 : index
    %get3A_15 = arith.constant 0 : index
    %get3A_16 = arith.constant 0 : index
    %get3A_17 = vector.load %arg3[%get3A_14, %get3A_15, %get3A_16] : memref<2x1000x128xf32, #tpu.memory_space<vmem>>, vector<1x1000x1xf32>
    %get3A_18 = vector.shape_cast %get3A_17 : vector<1x1000x1xf32> to vector<1000x1xf32>
    %add3A_19 = arith.addf %get3A_13, %get3A_18 : vector<1000x1xf32>
    %max3A = arith.constant 1.000000e+00 : f32
    %max3A_20 = vector.broadcast %max3A : f32 to vector<1000x1xf32>
    %max3A_21 = arith.maximumf %add3A_19, %max3A_20 : vector<1000x1xf32>
    %div3A = vector.broadcast %max3A_21 : vector<1000x1xf32> to vector<1000x128xf32>
    %div3A_22 = arith.divf %add3A, %div3A : vector<1000x128xf32>
    %get3A_23 = arith.constant 0 : index
    %get3A_24 = arith.constant 0 : index
    %get3A_25 = vector.load %arg1[%get3A_23, %get3A_24] : memref<1000x128xf32, #tpu.memory_space<vmem>>, vector<1000x128xf32>
    %get3A_26 = arith.constant 0 : index
    %get3A_27 = arith.constant 0 : index
    %get3A_28 = vector.load %arg4[%get3A_26, %get3A_27] : memref<128x128xf32, #tpu.memory_space<vmem>>, vector<128x128xf32>
    %dot_general3A = arith.constant dense<0.000000e+00> : vector<1000x128xf32>
    %dot_general3A_29 = tpu.matmul %get3A_25, %get3A_28, %dot_general3A {dimension_numbers = #tpu.dot_dimension_numbers<[1], [0], [0], [1], [0, 0, 1, 1], [], []>, transpose_lhs_hint = false} : vector<1000x128xf32>, vector<128x128xf32>, vector<1000x128xf32> -> vector<1000x128xf32>
    %get3A_30 = arith.constant 0 : index
    %get3A_31 = arith.constant 0 : index
    %get3A_32 = vector.load %arg6[%get3A_30, %get3A_31] : memref<128x128xf32, #tpu.memory_space<vmem>>, vector<128x128xf32>
    %dot_general3A_33 = arith.constant dense<0.000000e+00> : vector<1000x128xf32>
    %dot_general3A_34 = tpu.matmul %div3A_22, %get3A_32, %dot_general3A_33 {dimension_numbers = #tpu.dot_dimension_numbers<[1], [0], [0], [1], [0, 0, 1, 1], [], []>, transpose_lhs_hint = false} : vector<1000x128xf32>, vector<128x128xf32>, vector<1000x128xf32> -> vector<1000x128xf32>
    %add3A_35 = arith.addf %dot_general3A_29, %dot_general3A_34 : vector<1000x128xf32>
    %get3A_36 = arith.constant 0 : index
    %get3A_37 = arith.constant 0 : index
    %get3A_38 = vector.load %arg5[%get3A_36, %get3A_37] : memref<1x128xf32, #tpu.memory_space<vmem>>, vector<1x128xf32>
    %add3A_39 = vector.broadcast %get3A_38 : vector<1x128xf32> to vector<1000x128xf32>
    %add3A_40 = arith.addf %add3A_35, %add3A_39 : vector<1000x128xf32>
    %gt3A = arith.constant 0.000000e+00 : f32
    %gt3A_41 = vector.broadcast %gt3A : f32 to vector<1000x128xf32>
    %gt3A_42 = arith.cmpf ogt, %add3A_40, %gt3A_41 : vector<1000x128xf32>
    %min3A = arith.constant 0.000000e+00 : f32
    %min3A_43 = vector.broadcast %min3A : f32 to vector<1000x128xf32>
    %min3A_44 = arith.minimumf %add3A_40, %min3A_43 : vector<1000x128xf32>
    %exp3A = math.exp %min3A_44 : vector<1000x128xf32>
    %sub3A = arith.constant 1.000000e+00 : f32
    %sub3A_45 = vector.broadcast %sub3A : f32 to vector<1000x128xf32>
    %sub3A_46 = arith.subf %exp3A, %sub3A_45 : vector<1000x128xf32>
    %select_n3A = arith.select %gt3A_42, %add3A_40, %sub3A_46 : vector<1000x128xi1>, vector<1000x128xf32>
    %swap3A = arith.constant 0 : index
    %swap3A_47 = arith.constant 0 : index
    %swap3A_48 = vector.load %arg7[%swap3A, %swap3A_47] : memref<1000x128xf32, #tpu.memory_space<vmem>>, vector<1000x128xf32>
    tpu.vector_store %arg7[%swap3A, %swap3A_47], %select_n3A {strides = array<i32>} : memref<1000x128xf32, #tpu.memory_space<vmem>>, vector<1000x128xf32>,
    return
  }
  func.func @transform_0(%arg0: i32) -> (i32, i32) {
    %c0_i32 = arith.constant 0 : i32
    %c0_i32_0 = arith.constant 0 : i32
    return %arg0, %c0_i32 : i32, i32
  }
  func.func @transform_1(%arg0: i32) -> (i32, i32, i32) {
    %c0_i32 = arith.constant 0 : i32
    %c0_i32_0 = arith.constant 0 : i32
    %c0_i32_1 = arith.constant 0 : i32
    return %c0_i32, %arg0, %c0_i32_0 : i32, i32, i32
  }
  func.func @transform_2(%arg0: i32) -> (i32, i32, i32) {
    %c0_i32 = arith.constant 0 : i32
    %c0_i32_0 = arith.constant 0 : i32
    %c0_i32_1 = arith.constant 0 : i32
    return %c0_i32, %arg0, %c0_i32_0 : i32, i32, i32
  }
  func.func @transform_3(%arg0: i32) -> (i32, i32) {
    %c0_i32 = arith.constant 0 : i32
    %c0_i32_0 = arith.constant 0 : i32
    %c0_i32_1 = arith.constant 0 : i32
    return %c0_i32, %c0_i32_0 : i32, i32
  }
  func.func @transform_4(%arg0: i32) -> (i32, i32) {
    %c0_i32 = arith.constant 0 : i32
    %c0_i32_0 = arith.constant 0 : i32
    %c0_i32_1 = arith.constant 0 : i32
    return %c0_i32, %c0_i32_0 : i32, i32
  }
  func.func @transform_5(%arg0: i32) -> (i32, i32) {
    %c0_i32 = arith.constant 0 : i32
    %c0_i32_0 = arith.constant 0 : i32
    %c0_i32_1 = arith.constant 0 : i32
    return %c0_i32, %c0_i32_0 : i32, i32
  }
  func.func @transform_6(%arg0: i32) -> (i32, i32) {
    %c0_i32 = arith.constant 0 : i32
    %c0_i32_0 = arith.constant 0 : i32
    return %arg0, %c0_i32 : i32, i32
  }
}

module attributes {stable_mosaic.version = 14 : i64} {
  func.func @_tc_layer_body(%arg0: i32, %arg1: memref<1000x128xf32, #tpu.memory_space<vmem>>, %arg2: memref<2x1000x128xf32, #tpu.memory_space<vmem>>, %arg3: memref<2x1000x128xf32, #tpu.memory_space<vmem>>, %arg4: memref<128x128xf32, #tpu.memory_space<vmem>>, %arg5: memref<1x128xf32, #tpu.memory_space<vmem>>, %arg6: memref<128x128xf32, #tpu.memory_space<vmem>>, %arg7: memref<1000x128xf32, #tpu.memory_space<vmem>>) attributes {dimension_semantics = [#tpu.dimension_semantics<arbitrary>], iteration_bounds = array<i64: 10>, scalar_prefetch = 0 : i64, scratch_operands = 0 : i64, tpu.core_type = #tpu.core_type<tc>, window_params = [{transform_indices = @transform_0, window_bounds = array<i64: 1000, 128>}, {transform_indices = @transform_1, window_bounds = array<i64: 2, 1000, 128>}, {transform_indices = @transform_2, window_bounds = array<i64: 2, 1000, 128>}, {pipeline_mode = #tpu.pipeline_mode<synchronous>, transform_indices = @transform_3, window_bounds = array<i64: 128, 128>}, {pipeline_mode = #tpu.pipeline_mode<synchronous>, transform_indices = @transform_4, window_bounds = array<i64: 1, 128>}, {pipeline_mode = #tpu.pipeline_mode<synchronous>, transform_indices = @transform_5, window_bounds = array<i64: 128, 128>}, {transform_indices = @transform_6, window_bounds = array<i64: 1000, 128>}]} {
    %get3A = arith.constant 0 : index
    %get3A_0 = arith.constant 0 : index
    %get3A_1 = arith.constant 0 : index
    %get3A_2 = vector.load %arg2[%get3A, %get3A_0, %get3A_1] : memref<2x1000x128xf32, #tpu.memory_space<vmem>>, vector<1x1000x128xf32>
    %get3A_3 = vector.shape_cast %get3A_2 : vector<1x1000x128xf32> to vector<1000x128xf32>
    %get3A_4 = arith.constant 1 : index
    %get3A_5 = arith.constant 0 : index
    %get3A_6 = arith.constant 0 : index
    %get3A_7 = vector.load %arg2[%get3A_4, %get3A_5, %get3A_6] : memref<2x1000x128xf32, #tpu.memory_space<vmem>>, vector<1x1000x128xf32>
    %get3A_8 = vector.shape_cast %get3A_7 : vector<1x1000x128xf32> to vector<1000x128xf32>
    %add3A = arith.addf %get3A_3, %get3A_8 : vector<1000x128xf32>
    %get3A_9 = arith.constant 0 : index
    %get3A_10 = arith.constant 0 : index
    %get3A_11 = arith.constant 0 : index
    %get3A_12 = vector.load %arg3[%get3A_9, %get3A_10, %get3A_11] : memref<2x1000x128xf32, #tpu.memory_space<vmem>>, vector<1x1000x1xf32>
    %get3A_13 = vector.shape_cast %get3A_12 : vector<1x1000x1xf32> to vector<1000x1xf32>
    %get3A_14 = arith.constant 1 : index
    %get3A_15 = arith.constant 0 : index
    %get3A_16 = arith.constant 0 : index
    %get3A_17 = vector.load %arg3[%get3A_14, %get3A_15, %get3A_16] : memref<2x1000x128xf32, #tpu.memory_space<vmem>>, vector<1x1000x1xf32>
    %get3A_18 = vector.shape_cast %get3A_17 : vector<1x1000x1xf32> to vector<1000x1xf32>
    %add3A_19 = arith.addf %get3A_13, %get3A_18 : vector<1000x1xf32>
    %max3A = arith.constant 1.000000e+00 : f32
    %max3A_20 = vector.broadcast %max3A : f32 to vector<1000x1xf32>
    %max3A_21 = arith.maximumf %add3A_19, %max3A_20 : vector<1000x1xf32>
    %div3A = vector.broadcast %max3A_21 : vector<1000x1xf32> to vector<1000x128xf32>
    %div3A_22 = arith.divf %add3A, %div3A : vector<1000x128xf32>
    %get3A_23 = arith.constant 0 : index
    %get3A_24 = arith.constant 0 : index
    %get3A_25 = vector.load %arg1[%get3A_23, %get3A_24] : memref<1000x128xf32, #tpu.memory_space<vmem>>, vector<1000x128xf32>
    %get3A_26 = arith.constant 0 : index
    %get3A_27 = arith.constant 0 : index
    %get3A_28 = vector.load %arg4[%get3A_26, %get3A_27] : memref<128x128xf32, #tpu.memory_space<vmem>>, vector<128x128xf32>
    %dot_general3A = arith.constant dense<0.000000e+00> : vector<1000x128xf32>
    %dot_general3A_29 = tpu.matmul %get3A_25, %get3A_28, %dot_general3A {dimension_numbers = #tpu.dot_dimension_numbers<[1], [0], [0], [1], [0, 0, 1, 1], [], []>, transpose_lhs_hint = false} : vector<1000x128xf32>, vector<128x128xf32>, vector<1000x128xf32> -> vector<1000x128xf32>
    %get3A_30 = arith.constant 0 : index
    %get3A_31 = arith.constant 0 : index
    %get3A_32 = vector.load %arg6[%get3A_30, %get3A_31] : memref<128x128xf32, #tpu.memory_space<vmem>>, vector<128x128xf32>
    %dot_general3A_33 = arith.constant dense<0.000000e+00> : vector<1000x128xf32>
    %dot_general3A_34 = tpu.matmul %div3A_22, %get3A_32, %dot_general3A_33 {dimension_numbers = #tpu.dot_dimension_numbers<[1], [0], [0], [1], [0, 0, 1, 1], [], []>, transpose_lhs_hint = false} : vector<1000x128xf32>, vector<128x128xf32>, vector<1000x128xf32> -> vector<1000x128xf32>
    %add3A_35 = arith.addf %dot_general3A_29, %dot_general3A_34 : vector<1000x128xf32>
    %get3A_36 = arith.constant 0 : index
    %get3A_37 = arith.constant 0 : index
    %get3A_38 = vector.load %arg5[%get3A_36, %get3A_37] : memref<1x128xf32, #tpu.memory_space<vmem>>, vector<1x128xf32>
    %add3A_39 = vector.broadcast %get3A_38 : vector<1x128xf32> to vector<1000x128xf32>
    %add3A_40 = arith.addf %add3A_35, %add3A_39 : vector<1000x128xf32>
    %gt3A = arith.constant 0.000000e+00 : f32
    %gt3A_41 = vector.broadcast %gt3A : f32 to vector<1000x128xf32>
    %gt3A_42 = arith.cmpf ogt, %add3A_40, %gt3A_41 : vector<1000x128xf32>
    %min3A = arith.constant 0.000000e+00 : f32
    %min3A_43 = vector.broadcast %min3A : f32 to vector<1000x128xf32>
    %min3A_44 = arith.minimumf %add3A_40, %min3A_43 : vector<1000x128xf32>
    %exp3A = math.exp %min3A_44 : vector<1000x128xf32>
    %sub3A = arith.constant 1.000000e+00 : f32
    %sub3A_45 = vector.broadcast %sub3A : f32 to vector<1000x128xf32>
    %sub3A_46 = arith.subf %exp3A, %sub3A_45 : vector<1000x128xf32>
    %select_n3A = arith.select %gt3A_42, %add3A_40, %sub3A_46 : vector<1000x128xi1>, vector<1000x128xf32>
    %swap3A = arith.constant 0 : index
    %swap3A_47 = arith.constant 0 : index
    %swap3A_48 = vector.load %arg7[%swap3A, %swap3A_47] : memref<1000x128xf32, #tpu.memory_space<vmem>>, vector<1000x128xf32>
    tpu.vector_store %arg7[%swap3A, %swap3A_47], %select_n3A {strides = array<i32>} : memref<1000x128xf32, #tpu.memory_space<vmem>>, vector<1000x128xf32>,
    return
  }
  func.func @transform_0(%arg0: i32) -> (i32, i32) {
    %c0_i32 = arith.constant 0 : i32
    %c0_i32_0 = arith.constant 0 : i32
    return %arg0, %c0_i32 : i32, i32
  }
  func.func @transform_1(%arg0: i32) -> (i32, i32, i32) {
    %c0_i32 = arith.constant 0 : i32
    %c0_i32_0 = arith.constant 0 : i32
    %c0_i32_1 = arith.constant 0 : i32
    return %c0_i32, %arg0, %c0_i32_0 : i32, i32, i32
  }
  func.func @transform_2(%arg0: i32) -> (i32, i32, i32) {
    %c0_i32 = arith.constant 0 : i32
    %c0_i32_0 = arith.constant 0 : i32
    %c0_i32_1 = arith.constant 0 : i32
    return %c0_i32, %arg0, %c0_i32_0 : i32, i32, i32
  }
  func.func @transform_3(%arg0: i32) -> (i32, i32) {
    %c0_i32 = arith.constant 0 : i32
    %c0_i32_0 = arith.constant 0 : i32
    %c0_i32_1 = arith.constant 0 : i32
    return %c0_i32, %c0_i32_0 : i32, i32
  }
  func.func @transform_4(%arg0: i32) -> (i32, i32) {
    %c0_i32 = arith.constant 0 : i32
    %c0_i32_0 = arith.constant 0 : i32
    %c0_i32_1 = arith.constant 0 : i32
    return %c0_i32, %c0_i32_0 : i32, i32
  }
  func.func @transform_5(%arg0: i32) -> (i32, i32) {
    %c0_i32 = arith.constant 0 : i32
    %c0_i32_0 = arith.constant 0 : i32
    %c0_i32_1 = arith.constant 0 : i32
    return %c0_i32, %c0_i32_0 : i32, i32
  }
  func.func @transform_6(%arg0: i32) -> (i32, i32) {
    %c0_i32 = arith.constant 0 : i32
    %c0_i32_0 = arith.constant 0 : i32
    return %arg0, %c0_i32 : i32, i32
  }
}

</mosaic_0001>

<sc_bundles>
// kernel: kernel.10.cloned.1.call-start
scs
__scs_entry_jumppad:
0x0: {  	(pc) =	sbr.rel $0x88, $3  }
0x1: {  	(tag) =	ssettag $0x0;
	lr =	simm.s32 $0x1  }
0x2: {  	[smem:$0x3F94] =	sst lr;
	_ =	strace $0xD0000000  }
0x3: {  	_ = 	snop  }
0x4: {  	_ = 	snop  }
0x5: {  	_ = 	snop  }
0x6: {  	_ = 	snop  }
0x7: {  	_ = 	snop  }
__scs_overlays_trampoline_lowered:
0x8: {  	[smem:$0x3FA3] =	sst s0  }
0x9: {  	[smem:$0x3FA4] =	sst s1  }
0xa: {  	[smem:$0x3FA5] =	sst s2  }
0xb: {  	[smem:$0x3FA6] =	sst s3  }
0xc: {  	[smem:$0x3FA7] =	sst s4  }
0xd: {  	[smem:$0x3FA8] =	sst s5  }
0xe: {  	[smem:$0x3FA9] =	sst s6  }
0xf: {  	[smem:$0x3FAA] =	sst s7  }
0x10: {  	[smem:$0x3FAB] =	sst s8  }
0x11: {  	[smem:$0x3FAC] =	sst s9;
	s0 =	simm.s32 @!p0 $0x0  }
0x12: {  	s1 =	sld [smem:$0x3F92];
	s0 =	simm.s32 @p0 $0x1  }
0x13: {  	[smem:$0x3FAD] =	sst s0;
	s0 =	simm.s32 @!p1 $0x0  }
0x14: {  	s2 =	sld [smem:$0x3F91];
	s0 =	simm.s32 @p1 $0x1  }
0x15: {  	[smem:$0x3FAE] =	sst s0;
	s0 =	simm.s32 @!p2 $0x0  }
0x16: {  	s3 =	sld [smem:$0x3FDB];
	s0 =	simm.s32 @p2 $0x1  }
0x17: {  	s4 =	simm.s32 $0x1BF5;
	[smem:$0x3FB0] =	sst s0  }
0x18: {  	s0 =	sld [smem:$0x3F93];
	_ =	swait.ge [sflag:s4], $0x0  }
0x19: {  	s7 =	sld [smem:$0x3F94]  }
0x1a: {  	s8 =	sadd.s32 $0xFFFFE003, lr  }
0x1b: {  	s9 =	sadd.s32 $0xFFFFFEF7, lr;
	s5 =	simm.s32 $0xFFFFFFFF;
	p2 =	slt.u32 s8, $0xFFFFF086  }
0x1c: {  	p1 =	slt.u32 s9, $0xF7A;
	s5 =	simm.s32 @!p2 $0x0  }
0x1d: {  	s5 =	simm.s32 @p1 $0x1;
	p0 =	seq.s32 s7, s2  }
0x1e: {  	s7 =	smul.u32 @!p0 $0xF7A, s2;
	p2 =	seq.s32 @!p0 s5, $0x0  }
0x1f: {  	s9 =	smul.u32 $0xF7A, s1;
	s8 =	simm.s32 @!p0 $0x1BF5;
	p2 =	por !p2, p0  }
0x20: {  	[sflag:s8] =	ssyncset.s32 @!p0 $0xFFFFF086;
	s6 =	sadd.s32 @!p0 s3, s7;
	s7 =	simm.s32 @!p0 $0x108  }
0x21: {  	s3 =	sadd.s32 s3, s9;
	s6 =	sadd.s32 @!p0 $0x88, s6;
	s7 =	simm.s32 @p2 $0x1082  }
0x22: {  	[simem:s7], [sflag:s8] =	dma.local @!p0 [hbm:s6], $0xF7A  }
0x23: {  	s9 =	sor.u32 $0xD0000000, s2;
	s6 =	simm.s32 $0x108;
	_ =	swait.ge @!p0 [sflag:s8], $0x0  }
0x24: {  	s3 =	sadd.s32 $0x88, s3;
	s6 =	simm.s32 @!p1 $0x1082;
	[sflag:s4] =	ssyncset.s32 $0xFFFFF086  }
0x25: {  	[simem:s6], [sflag:s4] =	dma.local [hbm:s3], $0xF7A  }
0x26: {  	[smem:$0x3F94] =	sst s1;
	(tag) =	ssettag s2;
	_ =	strace s9  }
0x27: {  	s1 =	sld [smem:$0x3FA4]  }
0x28: {  	s2 =	sld [smem:$0x3FA5]  }
0x29: {  	s4 =	sld [smem:$0x3FA7]  }
0x2a: {  	p0 =	seq.s32 s5, $0x0;
	s5 =	sld [smem:$0x3FA8]  }
0x2b: {  	s6 =	sld [smem:$0x3FA9]  }
0x2c: {  	s7 =	sld [smem:$0x3FAA]  }
0x2d: {  	s3 =	simm.s32 $0x108;
	s8 =	sld [smem:$0x3FAB]  }
0x2e: {  	s3 =	simm.s32 @!p0 $0x1082;
	s9 =	sld [smem:$0x3FAC]  }
0x2f: {  	lr =	sadd.s32 s0, s3;
	s0 =	sld [smem:$0x3FA3]  }
0x30: {  	s3 =	sld [smem:$0x3FA6]  }
0x31: {  	[smem:$0x3FAF] =	sst s10  }
0x32: {  	s10 =	sld [smem:$0x3FAD];
	_ =	sdelay $0x3  }
0x33: {  	p0 =	seq.s32 s10, $0x1;
	s10 =	sld [smem:$0x3FAF];
	_ =	sdelay $0x3  }
0x34: {  	[smem:$0x3FAF] =	sst s10  }
0x35: {  	s10 =	sld [smem:$0x3FAE];
	_ =	sdelay $0x3  }
0x36: {  	p1 =	seq.s32 s10, $0x1;
	s10 =	sld [smem:$0x3FAF];
	_ =	sdelay $0x3  }
0x37: {  	[smem:$0x3FAF] =	sst s10  }
0x38: {  	s10 =	sld [smem:$0x3FB0]  }
0x39: {  	_ = 	snop;
	(pc) =	sbr.ind lr, $3  }
0x3a: {  	_ = 	snop  }
0x3b: {  	_ = 	snop  }
0x3c: {  	p2 =	seq.s32 s10, $0x1;
	s10 =	sld [smem:$0x3FAF]  }
0x3d: {  	_ =	shalt  }
0x3e: {  	_ =	shalt  }
0x3f: {  	_ =	shalt  }
0x40: {  	_ =	shalt  }
0x41: {  	_ =	shalt  }
0x42: {  	_ =	shalt  }
0x43: {  	_ =	shalt  }
0x44: {  	_ =	shalt  }
0x45: {  	_ =	shalt  }
0x46: {  	_ =	shalt  }
0x47: {  	_ =	shalt  }
0x48: {  	_ =	shalt  }
0x49: {  	_ =	shalt  }
0x4a: {  	_ =	shalt  }
0x4b: {  	_ =	shalt  }
0x4c: {  	_ =	shalt  }
0x4d: {  	_ =	shalt  }
0x4e: {  	_ =	shalt  }
0x4f: {  	_ =	shalt  }
0x50: {  	_ =	shalt  }
0x51: {  	_ =	shalt  }
0x52: {  	_ =	shalt  }
0x53: {  	_ =	shalt  }
0x54: {  	_ =	shalt  }
0x55: {  	_ =	shalt  }
0x56: {  	_ =	shalt  }
0x57: {  	_ =	shalt  }
0x58: {  	_ =	shalt  }
0x59: {  	_ =	shalt  }
0x5a: {  	_ =	shalt  }
0x5b: {  	_ =	shalt  }
0x5c: {  	_ =	shalt  }
0x5d: {  	_ =	shalt  }
0x5e: {  	_ =	shalt  }
0x5f: {  	_ =	shalt  }
0x60: {  	_ =	shalt  }
0x61: {  	_ =	shalt  }
0x62: {  	_ =	shalt  }
0x63: {  	_ =	shalt  }
0x64: {  	_ =	shalt  }
0x65: {  	_ =	shalt  }
0x66: {  	_ =	shalt  }
0x67: {  	_ =	shalt  }
0x68: {  	_ =	shalt  }
0x69: {  	_ =	shalt  }
0x6a: {  	_ =	shalt  }
0x6b: {  	_ =	shalt  }
0x6c: {  	_ =	shalt  }
0x6d: {  	_ =	shalt  }
0x6e: {  	_ =	shalt  }
0x6f: {  	_ =	shalt  }
0x70: {  	_ =	shalt  }
0x71: {  	_ =	shalt  }
0x72: {  	_ =	shalt  }
0x73: {  	_ =	shalt  }
0x74: {  	_ =	shalt  }
0x75: {  	_ =	shalt  }
0x76: {  	_ =	shalt  }
0x77: {  	_ =	shalt  }
0x78: {  	_ =	shalt  }
0x79: {  	_ =	shalt  }
0x7a: {  	_ =	shalt  }
0x7b: {  	_ =	shalt  }
0x7c: {  	_ =	shalt  }
0x7d: {  	_ =	shalt  }
0x7e: {  	_ =	shalt  }
0x7f: {  	_ =	shalt  }
0x80: {  	_ =	shalt  }
0x81: {  	_ =	shalt  }
0x82: {  	_ =	shalt  }
0x83: {  	_ =	shalt  }
0x84: {  	_ =	shalt  }
0x85: {  	_ =	shalt  }
0x86: {  	_ =	shalt  }
0x87: {  	_ =	shalt  }
.Lfunc_end0:
.L_simem_size_0:
called_computation_lowered:
.L_overlay_start_0:
0x88: {  	s2 =	sld [smem:$0x3FD9]  }
0x89: {  	s3 =	sld [smem:$0x3FFE];
	_ =	sdelay $0x1  }
0x8a: {  	s1 =	srdreg.scid  }
0x8b: {  	s0 =	sand.u32 $0x1, s1  }
0x8c: {  	s17 =	sshll.u32 s0, $0xA;
	s2 =	sadd.s32 s3, s2  }
0x8d: {  	s2 =	sadd.s32 s2, s17  }
0x8e: {  	[smem:$0x3FBB] =	sst s2  }
0x8f: {  	_ = 	snop  }
0x90: {  	(tm) =	ssettm $0x1  }
0x91: {  	s18 =	sld [smem:$0x3FFB];
	_ =	sdelay $0x3  }
0x92: {  	_ =	strace s18  }
0x93: {  	s2 =	sld [smem:$0x3FFC];
	_ =	sdelay $0x3  }
0x94: {  	_ =	strace s2  }
0x95: {  	s2 =	sld [smem:$0x3FFD];
	_ =	sdelay $0x3  }
0x96: {  	_ =	strace s2  }
0x97: {  	_ =	strace $0x8FFFFFFF  }
0x98: {  	s19 =	sld [smem:$0x3FDB];
	_ =	sdelay $0x1  }
0x99: {  	s20 =	simm.s32 $_scs_section_size  }
0x9a: {  	s4 =	simm.s32 $_size__tile_overlayer_lowered;
	s5 =	simm.s32 $_tile_overlayer_lowered  }
0x9b: {  	s6 =	simm.s32 $0x1BFF;
	s21 =	sshll.u32 s5, $0x1;
	s3 =	sadd.s32 s20, s19  }
0x9c: {  	s22 =	simm.s32 $0x0;
	s4 =	sshll.u32 s4, $0x1;
	s5 =	sadd.s32 s21, s3  }
0x9d: {  	[timem:s22], [sflag:s6] =	dma.local [hbm:s5], s4  }
0x9e: {  	_ =	swait.ge [sflag:s6], s4  }
0x9f: {  	s4 =	ssub.s32 $0x0, s4;
	[sflag:s6] =	ssyncset.done $0x0  }
0xa0: {  	[sflag:s6] =	ssyncadd.s32 s4;
	_ =	sdelay $0x1  }
0xa1: {  	s23 =	simm.s32 $0x1B8B  }
0xa2: {  	_ =	swait.ge [sflag:s23], $0x1  }
0xa3: {  	[sflag:s23] =	ssyncset.done $0x0  }
0xa4: {  	[sflag:s23] =	ssyncadd.s32 $0xFFFFFFFF  }
0xa5: {  	s4 =	sld [smem:$0x0]  }
0xa6: {  	s5 =	sand.u32 $0xFFFFFFFE, s1  }
0xa7: {  	p0 =	sne.s32 s1, s5  }
0xa8: {  	s5 =	sshll.u32 @p0 s5, $0xE  }
0xa9: {  	s5 =	sadd.s32 @p0 $0x11B8D, s5;
	s6 =	sshll.u32 @p0 s4, $0x11  }
0xaa: {  	s5 =	sor.u32 @p0 s6, s5  }
0xab: {  	[sflag:s5] =	ssyncadd.remote.s32 @p0 $0x1;
	_ =	sdelay $0x1  }
0xac: {  	s5 =	simm.s32 @p0 $0x1B8D  }
0xad: {  	_ =	swait.eq @p0 [sflag:s5], $0x1  }
0xae: {  	[sflag:s5] =	ssyncadd.s32 @p0 $0xFFFFFFFF  }
0xaf: {  	s6 =	sshll.u32 @!p0 s1, $0xE  }
0xb0: {  	s6 =	sor.u32 @!p0 $0x4000, s6;
	s5 =	simm.s32 @!p0 $0x1B8D  }
0xb1: {  	s4 =	sshll.u32 @!p0 s4, $0x11;
	s6 =	sadd.s32 @!p0 $0x11B8D, s6;
	_ =	swait.eq @!p0 [sflag:s5], $0x1  }
0xb2: {  	s4 =	sor.u32 @!p0 s4, s6;
	[sflag:s5] =	ssyncadd.s32 @!p0 $0xFFFFFFFF  }
0xb3: {  	s25 =	simm.s32 $0x1B8E;
	s24 =	sld [smem:$0x3FFE];
	[sflag:s4] =	ssyncadd.remote.s32 @!p0 $0x1  }
0xb4: {  	s26 =	simm.s32 $execute0_lowered;
	[smem:$0x3FD2] =	sst s25  }
0xb5: {  	s5 =	sshll.u32 s26, $0x1;
	_ =	strace $0x80000049;
	[dreg:$0x1] =	wrdreg $0xFFFFFFFF  }
0xb6: {  	s28 =	simm.s32 $_size_execute0_lowered;
	s3 =	sadd.s32 s3, s5;
	[dreg:$0x0] =	wrdreg $0x0  }
0xb7: {  	s5 =	sshll.u32 s28, $0x1;
	[dreg:$0x2] =	wrdreg s3  }
0xb8: {  	[dreg:$0x3] =	wrdreg s5  }
0xb9: {  	[dreg:$0x4] =	wrdreg $0xC0  }
0xba: {  	_ =	task [dreg:s22], $0x5FFFF  }
0xbb: {  	[dreg:$0x1] =	wrdreg $0xFFFFFFFF  }
0xbc: {  	[dreg:$0x0] =	wrdreg $0x60  }
0xbd: {  	[dreg:$0x2] =	wrdreg s24  }
0xbe: {  	[dreg:$0x3] =	wrdreg $0x68000  }
0xbf: {  	[dreg:$0x4] =	wrdreg $0x9  }
0xc0: {  	_ =	task.clear_ibuf [dreg:s22], $0x5FFFF;
	_ =	strace $0x90000049  }
0xc1: {  	s29 =	simm.s32 $0x9;
	_ =	strace $0x8000004B  }
0xc2: {  	_ =	swait.ge [sflag:s29], $0x1  }
0xc3: {  	[sflag:s29] =	ssyncadd.s32 $0xFFFFFFFF  }
0xc4: {  	_ =	strace $0x9000004B  }
0xc5: {  	_ =	sfence  }
0xc6: {  	s30 =	sld [smem:$0x0];
	_ =	sdelay $0x2  }
0xc7: {  	s31 =	sshll.u32 s1, $0xD;
	s1 =	sshrl.u32 s1, $0x2  }
0xc8: {  	s4 =	sand.u32 $0x4000, s31;
	s1 =	sadd.s32 s1, s30  }
0xc9: {  	s0 =	sor.u32 s4, s0;
	s1 =	sshll.u32 s1, $0x11  }
0xca: {  	s0 =	sor.u32 s1, s0  }
0xcb: {  	s0 =	sadd.s32 $0x8F2B, s0  }
0xcc: {  	[sflag:s0] =	ssyncadd.remote.s32 $0x1  }
0xcd: {  	_ =	sfence.sel $0xFFFF  }
0xce: {  	[dreg:$0x0] =	wrdreg $0xFFFFFFFF;
	(pc) =	sbr.abs _section_cstart, $3  }
0xcf: {  	[dreg:$0x1] =	wrdreg $0xFFFFFFFF  }
0xd0: {  	_ =	task.clear_ibuf [dreg:s22], $0x2FFFF;
	_ =	strace $0x9FFFFFFF  }
0xd1: {  	(tm) =	ssettm $0x7FFFFFFF  }
tec
execute0_lowered:
.L_overlay_start_1:
0x0: {  	(tag) =	ssettag $0x1  }
0x1: {  	s7 =	rddreg [dreg:$0x0]  }
0x2: {  	s0 =	srdreg.scid;
	s2 =	rddreg [dreg:$0x1]  }
0x3: {  	s3 =	simm.s32 $0x0;
	s12 =	simm.s32 $0x2800;
	s13 =	simm.s32 $0x80  }
0x4: {  	s14 =	simm.s32 $0x0;
	s6 =	sand.u32 $0x1, s0;
	s0 =	stileid.u32  }
0x5: {  	[smem:$0x7FF] =	sst s3;
	s1 =	sshll.u32 s6, $0x4;
	s10 =	smul.u32 $0x52200, s0  }
0x6: {  	s6 =	ssub.s32 $0x2, s6;
	s31 =	sshll.u32 s0, $0x6;
	s4 =	sor.u32 s0, s1  }
0x7: {  	s1 =	rddreg [dreg:$0x2];
	_ =	strace $0x8000004A;
	s5 =	smul.u32 $0x500, s4  }
0x8: {  	s30 =	sshrl.u32 s6, $0x1;
	s8 =	smul.u32 $0x2980, s4;
	s4 =	sadd.s32 $0x6D200, s7  }
0x9: {  	s10 =	sshrl.u32 s10, $0x2;
	s11 =	ssub.s32 s6, s30;
	s6 =	sor.u32 $0x1C01, s31  }
0xa: {  	s10 =	sadd.s32 s10, s2;
	s9 =	sadd.s32 s5, s7;
	s5 =	sadd.s32 $0x17800, s7  }
0xb: {  	s8 =	sadd.s32 s8, s7;
	s10 =	sshrl.u32 s10, $0x3;
	s7 =	sadd.s32 $0x3800, s9  }
0xc: {  	s8 =	sadd.s32 $0x6DA00, s8;
	s9 =	smax.u32 s11, $0x1;
	s11 =	simm.s32 $0x1  }
.LBB2_1:
0xd: {  	[spmem:s10], [sflag:s6] =	dma.local [hbm:s5], $0x2910  }
0xe: {  	_ =	swait.ge [sflag:s11], $0x2910  }
0xf: {  	[sflag:s11] =	ssyncset.done $0x0  }
0x10: {  	[sflag:s11] =	ssyncadd.s32 $0xFFFFD6F0  }
0x11: {  	[tilespmem:s3], [sflag:$0x1] =	stream.linear.gather [hbm4b:s7+s3], $0x2780, $0x38;
	[tilespmem:$0x1B080] =	vst v63  }
0x12: {  	_ =	swait.ge [sflag:s11], $0x2780  }
0x13: {  	[sflag:s11] =	ssyncset.done $0x0  }
0x14: {  	[sflag:s11] =	ssyncadd.s32 $0xFFFFD880  }
0x15: {  	[tilespmem:s12], [sflag:$0x1] =	stream.linear.gather [hbm4b:s4+s3], $0x4000, $0x38;
	[tilespmem:$0x1B080] =	vst v63  }
0x16: {  	_ =	swait.ge [sflag:s11], $0x4000  }
0x17: {  	[sflag:s11] =	ssyncset.done $0x0  }
0x18: {  	[sflag:s11] =	ssyncadd.s32 $0xFFFFC000  }
0x19: {  	s15 =	simm.s32 $0x0;
	[bflag:$0x0] =	sbarrier.arrive $0xFFFF  }
0x1a: {  	[spmem:s2] =	stream.indirect.scatter.add.f32 [tilespmem:s12], [sflag:$0x1], $0x80, s15, s13, $0xb8;
	[tilespmem:$0x1B080] =	vst v63  }
0x1b: {  	_ =	swait.ge [sflag:s11], $0x4000  }
0x1c: {  	s15 =	simm.s32 $0x200;
	[sflag:s11] =	ssyncset.done $0x0  }
.LBB2_2:
0x1d: {  	s16 =	sshra.s32 s15, $0x2;
	[sflag:s11] =	ssyncadd.s32 $0xFFFFC000;
	p0 =	sne.s32 s15, $0x9C00  }
0x1e: {  	[spmem:s2] =	stream.indirect.scatter.add.f32 [tilespmem:s12], [sflag:$0x1], $0x80, s16, s13, $0xb8;
	[tilespmem:$0x1B080] =	vst v63  }
.Ltmp0:
0x1f: {  	_ = 	snop;
	(pc) =	sbr.rel @p0 .LBB2_2-.Ltmp0, $4  }
0x20: {  	_ = 	snop  }
0x21: {  	s15 =	sadd.s32 $0x200, s15  }
0x22: {  	_ =	swait.ge [sflag:s11], $0x4000  }
0x23: {  	[sflag:s11] =	ssyncset.done $0x0  }
0x24: {  	s14 =	sadd.s32 $0x1, s14  }
0x25: {  	[sflag:s11] =	ssyncadd.s32 $0xFFFFC000;
	p0 =	sne.s32 s14, s9  }
.Ltmp1:
0x26: {  	[bflag:$0x0] =	sbarrier.arrive $0xFFFF;
	(pc) =	sbr.rel @p0 .LBB2_1-.Ltmp1, $4  }
0x27: {  	[hbm:s8], [sflag:s6] =	dma.local [spmem:s10], $0x2910  }
0x28: {  	_ =	swait.ge [sflag:s11], $0x2910  }
0x29: {  	[sflag:s11] =	ssyncset.done $0x0  }
0x2a: {  	[sflag:s11] =	ssyncadd.s32 $0xFFFFD6F0  }
0x2b: {  	_ =	sfence.sel $0x180000  }
0x2c: {  	[bflag:$0x0] =	sbarrier.arrive $0xFFFF  }
0x2d: {  	p0 =	sne.s32 s0, $0x0;
	_ =	strace $0x9000004A  }
0x2e: {  	s0 =	sadd.s32 @!p0 $0x100000, s1;
	[bflag:$0x2] =	sbarrier.arrive $0xFFFF  }
0x2f: {  	[sflag:s0] =	ssyncadd.tile.s32 @!p0 $0x1;
	_ =	shalt  }
.Lfunc_end2:
_tile_overlayer_lowered:
.L_overlay_start_2:
0x30: {  	(tag) =	ssettag $0x2  }
0x31: {  	s0 =	rddreg [dreg:$0x0];
	s2 =	stileid.u32  }
0x32: {  	s1 =	rddreg [dreg:$0x1];
	p0 =	sne.s32 s2, $0x0  }
0x33: {  	s3 =	rddreg [dreg:$0x2];
	[bflag:$0x3] =	sbarrier.arrive $0xFFFF;
	s2 =	simm.s32 @!p0 $0x1C01  }
0x34: {  	[timem:s3], [sflag:s2] =	dma.local @!p0 [hbm:s0], s1  }
0x35: {  	s0 =	simm.s32 @!p0 $0x1  }
0x36: {  	_ =	swait.ge @!p0 [sflag:s0], s1  }
0x37: {  	s1 =	ssub.s32 @!p0 $0x0, s1;
	[sflag:s0] =	ssyncset.done @!p0 $0x0  }
0x38: {  	[sflag:s0] =	ssyncadd.s32 @!p0 s1  }
0x39: {  	[bflag:$0x3] =	sbarrier.arrive $0xFFFF  }
0x3a: {  	_ =	shalt  }

// kernel: kernel.13.cloned.1.call-start
scs
__scs_entry_jumppad:
0x0: {  	(pc) =	sbr.rel $0x88, $3  }
0x1: {  	(tag) =	ssettag $0x0;
	lr =	simm.s32 $0x1  }
0x2: {  	[smem:$0x3F94] =	sst lr;
	_ =	strace $0xD0000000  }
0x3: {  	_ = 	snop  }
0x4: {  	_ = 	snop  }
0x5: {  	_ = 	snop  }
0x6: {  	_ = 	snop  }
0x7: {  	_ = 	snop  }
__scs_overlays_trampoline_lowered:
0x8: {  	[smem:$0x3FA3] =	sst s0  }
0x9: {  	[smem:$0x3FA4] =	sst s1  }
0xa: {  	[smem:$0x3FA5] =	sst s2  }
0xb: {  	[smem:$0x3FA6] =	sst s3  }
0xc: {  	[smem:$0x3FA7] =	sst s4  }
0xd: {  	[smem:$0x3FA8] =	sst s5  }
0xe: {  	[smem:$0x3FA9] =	sst s6  }
0xf: {  	[smem:$0x3FAA] =	sst s7  }
0x10: {  	[smem:$0x3FAB] =	sst s8  }
0x11: {  	[smem:$0x3FAC] =	sst s9;
	s0 =	simm.s32 @!p0 $0x0  }
0x12: {  	s1 =	sld [smem:$0x3F92];
	s0 =	simm.s32 @p0 $0x1  }
0x13: {  	[smem:$0x3FAD] =	sst s0;
	s0 =	simm.s32 @!p1 $0x0  }
0x14: {  	s2 =	sld [smem:$0x3F91];
	s0 =	simm.s32 @p1 $0x1  }
0x15: {  	[smem:$0x3FAE] =	sst s0;
	s0 =	simm.s32 @!p2 $0x0  }
0x16: {  	s3 =	sld [smem:$0x3FDB];
	s0 =	simm.s32 @p2 $0x1  }
0x17: {  	s4 =	simm.s32 $0x1BF5;
	[smem:$0x3FB0] =	sst s0  }
0x18: {  	s0 =	sld [smem:$0x3F93];
	_ =	swait.ge [sflag:s4], $0x0  }
0x19: {  	s7 =	sld [smem:$0x3F94]  }
0x1a: {  	s8 =	sadd.s32 $0xFFFFE003, lr  }
0x1b: {  	s9 =	sadd.s32 $0xFFFFFEF7, lr;
	s5 =	simm.s32 $0xFFFFFFFF;
	p2 =	slt.u32 s8, $0xFFFFF086  }
0x1c: {  	p1 =	slt.u32 s9, $0xF7A;
	s5 =	simm.s32 @!p2 $0x0  }
0x1d: {  	s5 =	simm.s32 @p1 $0x1;
	p0 =	seq.s32 s7, s2  }
0x1e: {  	s7 =	smul.u32 @!p0 $0xF7A, s2;
	p2 =	seq.s32 @!p0 s5, $0x0  }
0x1f: {  	s9 =	smul.u32 $0xF7A, s1;
	s8 =	simm.s32 @!p0 $0x1BF5;
	p2 =	por !p2, p0  }
0x20: {  	[sflag:s8] =	ssyncset.s32 @!p0 $0xFFFFF086;
	s6 =	sadd.s32 @!p0 s3, s7;
	s7 =	simm.s32 @!p0 $0x108  }
0x21: {  	s3 =	sadd.s32 s3, s9;
	s6 =	sadd.s32 @!p0 $0x88, s6;
	s7 =	simm.s32 @p2 $0x1082  }
0x22: {  	[simem:s7], [sflag:s8] =	dma.local @!p0 [hbm:s6], $0xF7A  }
0x23: {  	s9 =	sor.u32 $0xD0000000, s2;
	s6 =	simm.s32 $0x108;
	_ =	swait.ge @!p0 [sflag:s8], $0x0  }
0x24: {  	s3 =	sadd.s32 $0x88, s3;
	s6 =	simm.s32 @!p1 $0x1082;
	[sflag:s4] =	ssyncset.s32 $0xFFFFF086  }
0x25: {  	[simem:s6], [sflag:s4] =	dma.local [hbm:s3], $0xF7A  }
0x26: {  	[smem:$0x3F94] =	sst s1;
	(tag) =	ssettag s2;
	_ =	strace s9  }
0x27: {  	s1 =	sld [smem:$0x3FA4]  }
0x28: {  	s2 =	sld [smem:$0x3FA5]  }
0x29: {  	s4 =	sld [smem:$0x3FA7]  }
0x2a: {  	p0 =	seq.s32 s5, $0x0;
	s5 =	sld [smem:$0x3FA8]  }
0x2b: {  	s6 =	sld [smem:$0x3FA9]  }
0x2c: {  	s7 =	sld [smem:$0x3FAA]  }
0x2d: {  	s3 =	simm.s32 $0x108;
	s8 =	sld [smem:$0x3FAB]  }
0x2e: {  	s3 =	simm.s32 @!p0 $0x1082;
	s9 =	sld [smem:$0x3FAC]  }
0x2f: {  	lr =	sadd.s32 s0, s3;
	s0 =	sld [smem:$0x3FA3]  }
0x30: {  	s3 =	sld [smem:$0x3FA6]  }
0x31: {  	[smem:$0x3FAF] =	sst s10  }
0x32: {  	s10 =	sld [smem:$0x3FAD];
	_ =	sdelay $0x3  }
0x33: {  	p0 =	seq.s32 s10, $0x1;
	s10 =	sld [smem:$0x3FAF];
	_ =	sdelay $0x3  }
0x34: {  	[smem:$0x3FAF] =	sst s10  }
0x35: {  	s10 =	sld [smem:$0x3FAE];
	_ =	sdelay $0x3  }
0x36: {  	p1 =	seq.s32 s10, $0x1;
	s10 =	sld [smem:$0x3FAF];
	_ =	sdelay $0x3  }
0x37: {  	[smem:$0x3FAF] =	sst s10  }
0x38: {  	s10 =	sld [smem:$0x3FB0]  }
0x39: {  	_ = 	snop;
	(pc) =	sbr.ind lr, $3  }
0x3a: {  	_ = 	snop  }
0x3b: {  	_ = 	snop  }
0x3c: {  	p2 =	seq.s32 s10, $0x1;
	s10 =	sld [smem:$0x3FAF]  }
0x3d: {  	_ =	shalt  }
0x3e: {  	_ =	shalt  }
0x3f: {  	_ =	shalt  }
0x40: {  	_ =	shalt  }
0x41: {  	_ =	shalt  }
0x42: {  	_ =	shalt  }
0x43: {  	_ =	shalt  }
0x44: {  	_ =	shalt  }
0x45: {  	_ =	shalt  }
0x46: {  	_ =	shalt  }
0x47: {  	_ =	shalt  }
0x48: {  	_ =	shalt  }
0x49: {  	_ =	shalt  }
0x4a: {  	_ =	shalt  }
0x4b: {  	_ =	shalt  }
0x4c: {  	_ =	shalt  }
0x4d: {  	_ =	shalt  }
0x4e: {  	_ =	shalt  }
0x4f: {  	_ =	shalt  }
0x50: {  	_ =	shalt  }
0x51: {  	_ =	shalt  }
0x52: {  	_ =	shalt  }
0x53: {  	_ =	shalt  }
0x54: {  	_ =	shalt  }
0x55: {  	_ =	shalt  }
0x56: {  	_ =	shalt  }
0x57: {  	_ =	shalt  }
0x58: {  	_ =	shalt  }
0x59: {  	_ =	shalt  }
0x5a: {  	_ =	shalt  }
0x5b: {  	_ =	shalt  }
0x5c: {  	_ =	shalt  }
0x5d: {  	_ =	shalt  }
0x5e: {  	_ =	shalt  }
0x5f: {  	_ =	shalt  }
0x60: {  	_ =	shalt  }
0x61: {  	_ =	shalt  }
0x62: {  	_ =	shalt  }
0x63: {  	_ =	shalt  }
0x64: {  	_ =	shalt  }
0x65: {  	_ =	shalt  }
0x66: {  	_ =	shalt  }
0x67: {  	_ =	shalt  }
0x68: {  	_ =	shalt  }
0x69: {  	_ =	shalt  }
0x6a: {  	_ =	shalt  }
0x6b: {  	_ =	shalt  }
0x6c: {  	_ =	shalt  }
0x6d: {  	_ =	shalt  }
0x6e: {  	_ =	shalt  }
0x6f: {  	_ =	shalt  }
0x70: {  	_ =	shalt  }
0x71: {  	_ =	shalt  }
0x72: {  	_ =	shalt  }
0x73: {  	_ =	shalt  }
0x74: {  	_ =	shalt  }
0x75: {  	_ =	shalt  }
0x76: {  	_ =	shalt  }
0x77: {  	_ =	shalt  }
0x78: {  	_ =	shalt  }
0x79: {  	_ =	shalt  }
0x7a: {  	_ =	shalt  }
0x7b: {  	_ =	shalt  }
0x7c: {  	_ =	shalt  }
0x7d: {  	_ =	shalt  }
0x7e: {  	_ =	shalt  }
0x7f: {  	_ =	shalt  }
0x80: {  	_ =	shalt  }
0x81: {  	_ =	shalt  }
0x82: {  	_ =	shalt  }
0x83: {  	_ =	shalt  }
0x84: {  	_ =	shalt  }
0x85: {  	_ =	shalt  }
0x86: {  	_ =	shalt  }
0x87: {  	_ =	shalt  }
.Lfunc_end0:
.L_simem_size_0:
called_computation.1_lowered:
.L_overlay_start_0:
0x88: {  	s2 =	sld [smem:$0x3FD9]  }
0x89: {  	s3 =	sld [smem:$0x3FFE];
	_ =	sdelay $0x1  }
0x8a: {  	s1 =	srdreg.scid  }
0x8b: {  	s0 =	sand.u32 $0x1, s1  }
0x8c: {  	s17 =	sshll.u32 s0, $0xA;
	s2 =	sadd.s32 s3, s2  }
0x8d: {  	s2 =	sadd.s32 s2, s17  }
0x8e: {  	[smem:$0x3FBB] =	sst s2  }
0x8f: {  	_ = 	snop  }
0x90: {  	s2 =	sld [smem:$0x3FD0];
	(tm) =	ssettm $0x1  }
0x91: {  	s18 =	sld [smem:$0x3FFB];
	_ =	sdelay $0x3  }
0x92: {  	_ =	strace s18  }
0x93: {  	s3 =	sld [smem:$0x3FFC];
	_ =	sdelay $0x3  }
0x94: {  	_ =	strace s3  }
0x95: {  	s3 =	sld [smem:$0x3FFD];
	_ =	sdelay $0x3  }
0x96: {  	_ =	strace s3  }
0x97: {  	_ =	strace $0x8FFFFFFF  }
0x98: {  	s19 =	sld [smem:$0x3FDB];
	_ =	sdelay $0x1  }
0x99: {  	s4 =	simm.s32 $_scs_section_size  }
0x9a: {  	s5 =	simm.s32 $_size__tile_overlayer_lowered;
	s6 =	simm.s32 $_tile_overlayer_lowered  }
0x9b: {  	s22 =	simm.s32 $0x1BFF;
	s21 =	sshll.u32 s6, $0x1;
	s3 =	sadd.s32 s4, s19  }
0x9c: {  	s7 =	simm.s32 $0x0;
	s20 =	sshll.u32 s5, $0x1;
	s5 =	sadd.s32 s21, s3  }
0x9d: {  	[timem:s7], [sflag:s22] =	dma.local [hbm:s5], s20  }
0x9e: {  	_ =	swait.ge [sflag:s22], s20  }
0x9f: {  	s4 =	ssub.s32 $0x0, s20;
	[sflag:s22] =	ssyncset.done $0x0  }
0xa0: {  	[sflag:s22] =	ssyncadd.s32 s4;
	_ =	sdelay $0x1  }
0xa1: {  	s23 =	simm.s32 $0x1B8B  }
0xa2: {  	_ =	swait.ge [sflag:s23], $0x1  }
0xa3: {  	[sflag:s23] =	ssyncset.done $0x0  }
0xa4: {  	s25 =	simm.s32 $0x1B8E;
	s24 =	sld [smem:$0x3FFE];
	[sflag:s23] =	ssyncadd.s32 $0xFFFFFFFF  }
0xa5: {  	s26 =	simm.s32 $execute0_lowered;
	[smem:$0x3FD2] =	sst s25  }
0xa6: {  	s5 =	sshll.u32 s26, $0x1;
	_ =	strace $0x80000046;
	[dreg:$0x1] =	wrdreg $0xFFFFFFFF  }
0xa7: {  	s28 =	simm.s32 $_size_execute0_lowered;
	s3 =	sadd.s32 s3, s5;
	[dreg:$0x0] =	wrdreg $0x0  }
0xa8: {  	s5 =	sshll.u32 s28, $0x1;
	[dreg:$0x2] =	wrdreg s3  }
0xa9: {  	[dreg:$0x3] =	wrdreg s5  }
0xaa: {  	[dreg:$0x4] =	wrdreg $0xC0  }
0xab: {  	_ =	task [dreg:s7], $0x5FFFF  }
0xac: {  	[dreg:$0x1] =	wrdreg $0xFFFFFFFF  }
0xad: {  	[dreg:$0x0] =	wrdreg $0x60  }
0xae: {  	[dreg:$0x2] =	wrdreg s2  }
0xaf: {  	[dreg:$0x3] =	wrdreg s24  }
0xb0: {  	[dreg:$0x4] =	wrdreg $0x90000  }
0xb1: {  	[dreg:$0x5] =	wrdreg $0xA  }
0xb2: {  	_ =	task.clear_ibuf [dreg:s7], $0x6FFFF;
	_ =	strace $0x90000046  }
0xb3: {  	s29 =	simm.s32 $0xA;
	_ =	strace $0x80000048  }
0xb4: {  	_ =	swait.ge [sflag:s29], $0x1  }
0xb5: {  	[sflag:s29] =	ssyncadd.s32 $0xFFFFFFFF  }
0xb6: {  	_ =	strace $0x90000048  }
0xb7: {  	_ =	sfence  }
0xb8: {  	s30 =	sld [smem:$0x0];
	_ =	sdelay $0x2  }
0xb9: {  	s31 =	sshll.u32 s1, $0xD;
	s1 =	sshrl.u32 s1, $0x2  }
0xba: {  	s3 =	sand.u32 $0x4000, s31;
	s1 =	sadd.s32 s1, s30  }
0xbb: {  	s0 =	sor.u32 s3, s0;
	s1 =	sshll.u32 s1, $0x11  }
0xbc: {  	s0 =	sor.u32 s1, s0  }
0xbd: {  	s0 =	sadd.s32 $0x8F2B, s0  }
0xbe: {  	[sflag:s0] =	ssyncadd.remote.s32 $0x1  }
0xbf: {  	_ =	sfence.sel $0xFFFF  }
0xc0: {  	[dreg:$0x0] =	wrdreg $0xFFFFFFFF;
	(pc) =	sbr.abs _section_cstart, $3  }
0xc1: {  	[dreg:$0x1] =	wrdreg $0xFFFFFFFF  }
0xc2: {  	_ =	task.clear_ibuf [dreg:s7], $0x2FFFF;
	_ =	strace $0x9FFFFFFF  }
0xc3: {  	(tm) =	ssettm $0x7FFFFFFF  }
tec
execute0_lowered:
.L_overlay_start_1:
0x0: {  	(tag) =	ssettag $0x1  }
0x1: {  	s1 =	rddreg [dreg:$0x0]  }
0x2: {  	s0 =	srdreg.scid;
	s7 =	rddreg [dreg:$0x1]  }
0x3: {  	s3 =	rddreg [dreg:$0x2];
	s4 =	simm.s32 $0x0;
	s13 =	simm.s32 $0x2800  }
0x4: {  	s14 =	simm.s32 $0x80;
	s15 =	simm.s32 $0x5000;
	s16 =	simm.s32 $0x1  }
0x5: {  	s17 =	simm.s32 $0x0;
	s6 =	sand.u32 $0x1, s0;
	s0 =	stileid.u32  }
0x6: {  	[smem:$0x7FF] =	sst s4;
	s2 =	sshll.u32 s6, $0x4;
	s10 =	smul.u32 $0x52200, s0  }
0x7: {  	s6 =	ssub.s32 $0x2, s6;
	s31 =	sshll.u32 s0, $0x6;
	s5 =	sor.u32 s0, s2  }
0x8: {  	s2 =	rddreg [dreg:$0x3];
	_ =	strace $0x80000047;
	s8 =	smul.u32 $0x500, s5  }
0x9: {  	s30 =	sshrl.u32 s6, $0x1;
	s9 =	smul.u32 $0x2980, s5;
	s5 =	sadd.s32 $0x17800, s7  }
0xa: {  	s10 =	sshrl.u32 s10, $0x2;
	s11 =	ssub.s32 s6, s30;
	s6 =	sor.u32 $0x1C02, s31  }
0xb: {  	s12 =	sadd.s32 s10, s3;
	s10 =	smax.u32 s11, $0x1;
	s8 =	sadd.s32 s8, s7  }
0xc: {  	s9 =	sadd.s32 s9, s7;
	s11 =	sshrl.u32 s12, $0x3;
	s12 =	simm.s32 $0x2  }
0xd: {  	s7 =	sadd.s32 $0xD800, s8;
	s8 =	sadd.s32 $0x3800, s8;
	s9 =	sadd.s32 $0x1A200, s9  }
.LBB2_1:
0xe: {  	[spmem:s11], [sflag:s6] =	dma.local [hbm:s5], $0x2910  }
0xf: {  	_ =	swait.ge [sflag:s12], $0x2910  }
0x10: {  	[sflag:s12] =	ssyncset.done $0x0  }
0x11: {  	[sflag:s12] =	ssyncadd.s32 $0xFFFFD6F0  }
0x12: {  	[tilespmem:s4], [sflag:$0x2] =	stream.linear.gather [hbm4b:s7+s4], $0x2780, $0x38;
	[tilespmem:$0x1D880] =	vst v63  }
0x13: {  	_ =	swait.ge [sflag:s12], $0x2780  }
0x14: {  	[sflag:s12] =	ssyncset.done $0x0  }
0x15: {  	[sflag:s12] =	ssyncadd.s32 $0xFFFFD880  }
0x16: {  	[tilespmem:s13], [sflag:$0x2] =	stream.linear.gather [hbm4b:s8+s4], $0x2780, $0x38;
	[tilespmem:$0x1D880] =	vst v63  }
0x17: {  	_ =	swait.ge [sflag:s12], $0x2780  }
0x18: {  	[sflag:s12] =	ssyncset.done $0x0  }
0x19: {  	[sflag:s12] =	ssyncadd.s32 $0xFFFFD880  }
0x1a: {  	s18 =	simm.s32 $0x0;
	[bflag:$0x0] =	sbarrier.arrive $0xFFFF  }
0x1b: {  	[tilespmem:s15], [sflag:$0x1] =	stream.indirect.gather [hbm4b:s1+s14], $0x80, s18, s14, $0xb8;
	[tilespmem:$0x1D880] =	vst v63  }
0x1c: {  	_ =	swait.ge [sflag:s16], $0x4000  }
0x1d: {  	[sflag:s16] =	ssyncset.done $0x0  }
0x1e: {  	s31 =	simm.s32 $0x2800;
	[sflag:s16] =	ssyncadd.s32 $0xFFFFC000  }
0x1f: {  	[spmem:s3] =	stream.indirect.scatter.add.f32 [tilespmem:s15], [sflag:$0x2], $0x80, s31, s14, $0xb8;
	[tilespmem:$0x1D880] =	vst v63  }
0x20: {  	_ =	swait.ge [sflag:s12], $0x4000  }
0x21: {  	s19 =	simm.s32 $0x400;
	s18 =	simm.s32 $0x200;
	[sflag:s12] =	ssyncset.done $0x0  }
.LBB2_2:
0x22: {  	s20 =	sshra.s32 s18, $0x2  }
0x23: {  	[sflag:s12] =	ssyncadd.s32 $0xFFFFC000;
	s18 =	smov.u32 s19;
	s21 =	sadd.s32 $0x200, s19  }
0x24: {  	[tilespmem:s15], [sflag:$0x1] =	stream.indirect.gather [hbm4b:s1+s14], $0x80, s20, s14, $0xb8;
	[tilespmem:$0x1D880] =	vst v63  }
0x25: {  	p0 =	sne.s32 s19, $0x9C00;
	_ =	swait.ge [sflag:s16], $0x4000  }
.Ltmp0:
0x26: {  	[sflag:s16] =	ssyncset.done $0x0;
	(pc) =	sbr.rel @p0 .LBB2_2-.Ltmp0, $4  }
0x27: {  	s19 =	sadd.s32 $0x2800, s20;
	[sflag:s16] =	ssyncadd.s32 $0xFFFFC000  }
0x28: {  	[spmem:s3] =	stream.indirect.scatter.add.f32 [tilespmem:s15], [sflag:$0x2], $0x80, s19, s14, $0xb8;
	[tilespmem:$0x1D880] =	vst v63  }
0x29: {  	_ =	swait.ge [sflag:s12], $0x4000  }
0x2a: {  	s19 =	smov.u32 s21;
	[sflag:s12] =	ssyncset.done $0x0  }
0x2b: {  	s18 =	sshra.s32 s18, $0x2;
	[sflag:s12] =	ssyncadd.s32 $0xFFFFC000  }
0x2c: {  	[tilespmem:s15], [sflag:$0x1] =	stream.indirect.gather [hbm4b:s1+s14], $0x80, s18, s14, $0xb8;
	[tilespmem:$0x1D880] =	vst v63  }
0x2d: {  	_ =	swait.ge [sflag:s16], $0x4000  }
0x2e: {  	[sflag:s16] =	ssyncset.done $0x0  }
0x2f: {  	s18 =	sadd.s32 $0x2800, s18;
	[sflag:s16] =	ssyncadd.s32 $0xFFFFC000  }
0x30: {  	[spmem:s3] =	stream.indirect.scatter.add.f32 [tilespmem:s15], [sflag:$0x2], $0x80, s18, s14, $0xb8;
	[tilespmem:$0x1D880] =	vst v63  }
0x31: {  	_ =	swait.ge [sflag:s12], $0x4000  }
0x32: {  	s17 =	sadd.s32 $0x1, s17;
	[sflag:s12] =	ssyncset.done $0x0  }
0x33: {  	p0 =	sne.s32 s17, s10;
	[sflag:s12] =	ssyncadd.s32 $0xFFFFC000  }
.Ltmp1:
0x34: {  	[bflag:$0x0] =	sbarrier.arrive $0xFFFF;
	(pc) =	sbr.rel @p0 .LBB2_1-.Ltmp1, $4  }
0x35: {  	[hbm:s9], [sflag:s6] =	dma.local [spmem:s11], $0x2910  }
0x36: {  	_ =	swait.ge [sflag:s12], $0x2910  }
0x37: {  	[sflag:s12] =	ssyncset.done $0x0  }
0x38: {  	[sflag:s12] =	ssyncadd.s32 $0xFFFFD6F0  }
0x39: {  	_ =	sfence.sel $0x180000  }
0x3a: {  	[bflag:$0x0] =	sbarrier.arrive $0xFFFF  }
0x3b: {  	p0 =	sne.s32 s0, $0x0;
	_ =	strace $0x90000047  }
0x3c: {  	s0 =	sadd.s32 @!p0 $0x100000, s2;
	[bflag:$0x2] =	sbarrier.arrive $0xFFFF  }
0x3d: {  	[sflag:s0] =	ssyncadd.tile.s32 @!p0 $0x1;
	_ =	shalt  }
.Lfunc_end2:
_tile_overlayer_lowered:
.L_overlay_start_2:
0x3e: {  	(tag) =	ssettag $0x2  }
0x3f: {  	s0 =	rddreg [dreg:$0x0];
	s2 =	stileid.u32  }
0x40: {  	s1 =	rddreg [dreg:$0x1];
	p0 =	sne.s32 s2, $0x0  }
0x41: {  	s3 =	rddreg [dreg:$0x2];
	[bflag:$0x3] =	sbarrier.arrive $0xFFFF;
	s2 =	simm.s32 @!p0 $0x1C02  }
0x42: {  	[timem:s3], [sflag:s2] =	dma.local @!p0 [hbm:s0], s1  }
0x43: {  	s0 =	simm.s32 @!p0 $0x2  }
0x44: {  	_ =	swait.ge @!p0 [sflag:s0], s1  }
0x45: {  	s1 =	ssub.s32 @!p0 $0x0, s1;
	[sflag:s0] =	ssyncset.done @!p0 $0x0  }
0x46: {  	[sflag:s0] =	ssyncadd.s32 @!p0 s1  }
0x47: {  	[bflag:$0x3] =	sbarrier.arrive $0xFFFF  }
0x48: {  	_ =	shalt  }

// kernel: kernel.16.cloned.1.call-start
scs
__scs_entry_jumppad:
0x0: {  	(pc) =	sbr.rel $0x88, $3  }
0x1: {  	(tag) =	ssettag $0x0;
	lr =	simm.s32 $0x1  }
0x2: {  	[smem:$0x3F94] =	sst lr;
	_ =	strace $0xD0000000  }
0x3: {  	_ = 	snop  }
0x4: {  	_ = 	snop  }
0x5: {  	_ = 	snop  }
0x6: {  	_ = 	snop  }
0x7: {  	_ = 	snop  }
__scs_overlays_trampoline_lowered:
0x8: {  	[smem:$0x3FA3] =	sst s0  }
0x9: {  	[smem:$0x3FA4] =	sst s1  }
0xa: {  	[smem:$0x3FA5] =	sst s2  }
0xb: {  	[smem:$0x3FA6] =	sst s3  }
0xc: {  	[smem:$0x3FA7] =	sst s4  }
0xd: {  	[smem:$0x3FA8] =	sst s5  }
0xe: {  	[smem:$0x3FA9] =	sst s6  }
0xf: {  	[smem:$0x3FAA] =	sst s7  }
0x10: {  	[smem:$0x3FAB] =	sst s8  }
0x11: {  	[smem:$0x3FAC] =	sst s9;
	s0 =	simm.s32 @!p0 $0x0  }
0x12: {  	s1 =	sld [smem:$0x3F92];
	s0 =	simm.s32 @p0 $0x1  }
0x13: {  	[smem:$0x3FAD] =	sst s0;
	s0 =	simm.s32 @!p1 $0x0  }
0x14: {  	s2 =	sld [smem:$0x3F91];
	s0 =	simm.s32 @p1 $0x1  }
0x15: {  	[smem:$0x3FAE] =	sst s0;
	s0 =	simm.s32 @!p2 $0x0  }
0x16: {  	s3 =	sld [smem:$0x3FDB];
	s0 =	simm.s32 @p2 $0x1  }
0x17: {  	s4 =	simm.s32 $0x1BF5;
	[smem:$0x3FB0] =	sst s0  }
0x18: {  	s0 =	sld [smem:$0x3F93];
	_ =	swait.ge [sflag:s4], $0x0  }
0x19: {  	s7 =	sld [smem:$0x3F94]  }
0x1a: {  	s8 =	sadd.s32 $0xFFFFE003, lr  }
0x1b: {  	s9 =	sadd.s32 $0xFFFFFEF7, lr;
	s5 =	simm.s32 $0xFFFFFFFF;
	p2 =	slt.u32 s8, $0xFFFFF086  }
0x1c: {  	p1 =	slt.u32 s9, $0xF7A;
	s5 =	simm.s32 @!p2 $0x0  }
0x1d: {  	s5 =	simm.s32 @p1 $0x1;
	p0 =	seq.s32 s7, s2  }
0x1e: {  	s7 =	smul.u32 @!p0 $0xF7A, s2;
	p2 =	seq.s32 @!p0 s5, $0x0  }
0x1f: {  	s9 =	smul.u32 $0xF7A, s1;
	s8 =	simm.s32 @!p0 $0x1BF5;
	p2 =	por !p2, p0  }
0x20: {  	[sflag:s8] =	ssyncset.s32 @!p0 $0xFFFFF086;
	s6 =	sadd.s32 @!p0 s3, s7;
	s7 =	simm.s32 @!p0 $0x108  }
0x21: {  	s3 =	sadd.s32 s3, s9;
	s6 =	sadd.s32 @!p0 $0x88, s6;
	s7 =	simm.s32 @p2 $0x1082  }
0x22: {  	[simem:s7], [sflag:s8] =	dma.local @!p0 [hbm:s6], $0xF7A  }
0x23: {  	s9 =	sor.u32 $0xD0000000, s2;
	s6 =	simm.s32 $0x108;
	_ =	swait.ge @!p0 [sflag:s8], $0x0  }
0x24: {  	s3 =	sadd.s32 $0x88, s3;
	s6 =	simm.s32 @!p1 $0x1082;
	[sflag:s4] =	ssyncset.s32 $0xFFFFF086  }
0x25: {  	[simem:s6], [sflag:s4] =	dma.local [hbm:s3], $0xF7A  }
0x26: {  	[smem:$0x3F94] =	sst s1;
	(tag) =	ssettag s2;
	_ =	strace s9  }
0x27: {  	s1 =	sld [smem:$0x3FA4]  }
0x28: {  	s2 =	sld [smem:$0x3FA5]  }
0x29: {  	s4 =	sld [smem:$0x3FA7]  }
0x2a: {  	p0 =	seq.s32 s5, $0x0;
	s5 =	sld [smem:$0x3FA8]  }
0x2b: {  	s6 =	sld [smem:$0x3FA9]  }
0x2c: {  	s7 =	sld [smem:$0x3FAA]  }
0x2d: {  	s3 =	simm.s32 $0x108;
	s8 =	sld [smem:$0x3FAB]  }
0x2e: {  	s3 =	simm.s32 @!p0 $0x1082;
	s9 =	sld [smem:$0x3FAC]  }
0x2f: {  	lr =	sadd.s32 s0, s3;
	s0 =	sld [smem:$0x3FA3]  }
0x30: {  	s3 =	sld [smem:$0x3FA6]  }
0x31: {  	[smem:$0x3FAF] =	sst s10  }
0x32: {  	s10 =	sld [smem:$0x3FAD];
	_ =	sdelay $0x3  }
0x33: {  	p0 =	seq.s32 s10, $0x1;
	s10 =	sld [smem:$0x3FAF];
	_ =	sdelay $0x3  }
0x34: {  	[smem:$0x3FAF] =	sst s10  }
0x35: {  	s10 =	sld [smem:$0x3FAE];
	_ =	sdelay $0x3  }
0x36: {  	p1 =	seq.s32 s10, $0x1;
	s10 =	sld [smem:$0x3FAF];
	_ =	sdelay $0x3  }
0x37: {  	[smem:$0x3FAF] =	sst s10  }
0x38: {  	s10 =	sld [smem:$0x3FB0]  }
0x39: {  	_ = 	snop;
	(pc) =	sbr.ind lr, $3  }
0x3a: {  	_ = 	snop  }
0x3b: {  	_ = 	snop  }
0x3c: {  	p2 =	seq.s32 s10, $0x1;
	s10 =	sld [smem:$0x3FAF]  }
0x3d: {  	_ =	shalt  }
0x3e: {  	_ =	shalt  }
0x3f: {  	_ =	shalt  }
0x40: {  	_ =	shalt  }
0x41: {  	_ =	shalt  }
0x42: {  	_ =	shalt  }
0x43: {  	_ =	shalt  }
0x44: {  	_ =	shalt  }
0x45: {  	_ =	shalt  }
0x46: {  	_ =	shalt  }
0x47: {  	_ =	shalt  }
0x48: {  	_ =	shalt  }
0x49: {  	_ =	shalt  }
0x4a: {  	_ =	shalt  }
0x4b: {  	_ =	shalt  }
0x4c: {  	_ =	shalt  }
0x4d: {  	_ =	shalt  }
0x4e: {  	_ =	shalt  }
0x4f: {  	_ =	shalt  }
0x50: {  	_ =	shalt  }
0x51: {  	_ =	shalt  }
0x52: {  	_ =	shalt  }
0x53: {  	_ =	shalt  }
0x54: {  	_ =	shalt  }
0x55: {  	_ =	shalt  }
0x56: {  	_ =	shalt  }
0x57: {  	_ =	shalt  }
0x58: {  	_ =	shalt  }
0x59: {  	_ =	shalt  }
0x5a: {  	_ =	shalt  }
0x5b: {  	_ =	shalt  }
0x5c: {  	_ =	shalt  }
0x5d: {  	_ =	shalt  }
0x5e: {  	_ =	shalt  }
0x5f: {  	_ =	shalt  }
0x60: {  	_ =	shalt  }
0x61: {  	_ =	shalt  }
0x62: {  	_ =	shalt  }
0x63: {  	_ =	shalt  }
0x64: {  	_ =	shalt  }
0x65: {  	_ =	shalt  }
0x66: {  	_ =	shalt  }
0x67: {  	_ =	shalt  }
0x68: {  	_ =	shalt  }
0x69: {  	_ =	shalt  }
0x6a: {  	_ =	shalt  }
0x6b: {  	_ =	shalt  }
0x6c: {  	_ =	shalt  }
0x6d: {  	_ =	shalt  }
0x6e: {  	_ =	shalt  }
0x6f: {  	_ =	shalt  }
0x70: {  	_ =	shalt  }
0x71: {  	_ =	shalt  }
0x72: {  	_ =	shalt  }
0x73: {  	_ =	shalt  }
0x74: {  	_ =	shalt  }
0x75: {  	_ =	shalt  }
0x76: {  	_ =	shalt  }
0x77: {  	_ =	shalt  }
0x78: {  	_ =	shalt  }
0x79: {  	_ =	shalt  }
0x7a: {  	_ =	shalt  }
0x7b: {  	_ =	shalt  }
0x7c: {  	_ =	shalt  }
0x7d: {  	_ =	shalt  }
0x7e: {  	_ =	shalt  }
0x7f: {  	_ =	shalt  }
0x80: {  	_ =	shalt  }
0x81: {  	_ =	shalt  }
0x82: {  	_ =	shalt  }
0x83: {  	_ =	shalt  }
0x84: {  	_ =	shalt  }
0x85: {  	_ =	shalt  }
0x86: {  	_ =	shalt  }
0x87: {  	_ =	shalt  }
.Lfunc_end0:
.L_simem_size_0:
called_computation.2_lowered:
.L_overlay_start_0:
0x88: {  	s2 =	sld [smem:$0x3FD9]  }
0x89: {  	s3 =	sld [smem:$0x3FFE];
	_ =	sdelay $0x1  }
0x8a: {  	s1 =	srdreg.scid  }
0x8b: {  	s0 =	sand.u32 $0x1, s1  }
0x8c: {  	s17 =	sshll.u32 s0, $0xA;
	s2 =	sadd.s32 s3, s2  }
0x8d: {  	s2 =	sadd.s32 s2, s17  }
0x8e: {  	[smem:$0x3FBB] =	sst s2  }
0x8f: {  	_ = 	snop  }
0x90: {  	s2 =	sld [smem:$0x3FD0];
	(tm) =	ssettm $0x1  }
0x91: {  	s18 =	sld [smem:$0x3FFB];
	_ =	sdelay $0x3  }
0x92: {  	_ =	strace s18  }
0x93: {  	s3 =	sld [smem:$0x3FFC];
	_ =	sdelay $0x3  }
0x94: {  	_ =	strace s3  }
0x95: {  	s3 =	sld [smem:$0x3FFD];
	_ =	sdelay $0x3  }
0x96: {  	_ =	strace s3  }
0x97: {  	_ =	strace $0x8FFFFFFF  }
0x98: {  	s19 =	sld [smem:$0x3FDB];
	_ =	sdelay $0x1  }
0x99: {  	s4 =	simm.s32 $_scs_section_size  }
0x9a: {  	s5 =	simm.s32 $_size__tile_overlayer_lowered;
	s6 =	simm.s32 $_tile_overlayer_lowered  }
0x9b: {  	s22 =	simm.s32 $0x1BFF;
	s21 =	sshll.u32 s6, $0x1;
	s3 =	sadd.s32 s4, s19  }
0x9c: {  	s7 =	simm.s32 $0x0;
	s20 =	sshll.u32 s5, $0x1;
	s5 =	sadd.s32 s21, s3  }
0x9d: {  	[timem:s7], [sflag:s22] =	dma.local [hbm:s5], s20  }
0x9e: {  	_ =	swait.ge [sflag:s22], s20  }
0x9f: {  	s4 =	ssub.s32 $0x0, s20;
	[sflag:s22] =	ssyncset.done $0x0  }
0xa0: {  	[sflag:s22] =	ssyncadd.s32 s4;
	_ =	sdelay $0x1  }
0xa1: {  	s23 =	simm.s32 $0x1B8B  }
0xa2: {  	_ =	swait.ge [sflag:s23], $0x1  }
0xa3: {  	[sflag:s23] =	ssyncset.done $0x0  }
0xa4: {  	s25 =	simm.s32 $0x1B8E;
	s24 =	sld [smem:$0x3FFE];
	[sflag:s23] =	ssyncadd.s32 $0xFFFFFFFF  }
0xa5: {  	s26 =	simm.s32 $execute0_lowered;
	[smem:$0x3FD2] =	sst s25  }
0xa6: {  	s5 =	sshll.u32 s26, $0x1;
	_ =	strace $0x8000004C;
	[dreg:$0x1] =	wrdreg $0xFFFFFFFF  }
0xa7: {  	s28 =	simm.s32 $_size_execute0_lowered;
	s3 =	sadd.s32 s3, s5;
	[dreg:$0x0] =	wrdreg $0x0  }
0xa8: {  	s5 =	sshll.u32 s28, $0x1;
	[dreg:$0x2] =	wrdreg s3  }
0xa9: {  	[dreg:$0x3] =	wrdreg s5  }
0xaa: {  	[dreg:$0x4] =	wrdreg $0xC0  }
0xab: {  	_ =	task [dreg:s7], $0x5FFFF  }
0xac: {  	[dreg:$0x1] =	wrdreg $0xFFFFFFFF  }
0xad: {  	[dreg:$0x0] =	wrdreg $0x60  }
0xae: {  	[dreg:$0x2] =	wrdreg s2  }
0xaf: {  	[dreg:$0x3] =	wrdreg s24  }
0xb0: {  	[dreg:$0x4] =	wrdreg $0x90000  }
0xb1: {  	[dreg:$0x5] =	wrdreg $0x9  }
0xb2: {  	_ =	task.clear_ibuf [dreg:s7], $0x6FFFF;
	_ =	strace $0x9000004C  }
0xb3: {  	s29 =	simm.s32 $0x9;
	_ =	strace $0x8000004E  }
0xb4: {  	_ =	swait.ge [sflag:s29], $0x1  }
0xb5: {  	[sflag:s29] =	ssyncadd.s32 $0xFFFFFFFF  }
0xb6: {  	_ =	strace $0x9000004E  }
0xb7: {  	_ =	sfence  }
0xb8: {  	s30 =	sld [smem:$0x0];
	_ =	sdelay $0x2  }
0xb9: {  	s31 =	sshll.u32 s1, $0xD;
	s1 =	sshrl.u32 s1, $0x2  }
0xba: {  	s3 =	sand.u32 $0x4000, s31;
	s1 =	sadd.s32 s1, s30  }
0xbb: {  	s0 =	sor.u32 s3, s0;
	s1 =	sshll.u32 s1, $0x11  }
0xbc: {  	s0 =	sor.u32 s1, s0  }
0xbd: {  	s0 =	sadd.s32 $0x8F2B, s0  }
0xbe: {  	[sflag:s0] =	ssyncadd.remote.s32 $0x1  }
0xbf: {  	_ =	sfence.sel $0xFFFF  }
0xc0: {  	[dreg:$0x0] =	wrdreg $0xFFFFFFFF;
	(pc) =	sbr.abs _section_cstart, $3  }
0xc1: {  	[dreg:$0x1] =	wrdreg $0xFFFFFFFF  }
0xc2: {  	_ =	task.clear_ibuf [dreg:s7], $0x2FFFF;
	_ =	strace $0x9FFFFFFF  }
0xc3: {  	(tm) =	ssettm $0x7FFFFFFF  }
tec
execute0_lowered:
.L_overlay_start_1:
0x0: {  	(tag) =	ssettag $0x1  }
0x1: {  	s1 =	rddreg [dreg:$0x0]  }
0x2: {  	s0 =	srdreg.scid;
	s7 =	rddreg [dreg:$0x1]  }
0x3: {  	s3 =	rddreg [dreg:$0x2];
	s4 =	simm.s32 $0x0;
	s13 =	simm.s32 $0x2800  }
0x4: {  	s14 =	simm.s32 $0x80;
	s15 =	simm.s32 $0x5000;
	s16 =	simm.s32 $0x1  }
0x5: {  	s17 =	simm.s32 $0x0;
	s6 =	sand.u32 $0x1, s0;
	s0 =	stileid.u32  }
0x6: {  	[smem:$0x7FF] =	sst s4;
	s2 =	sshll.u32 s6, $0x4;
	s10 =	smul.u32 $0x52200, s0  }
0x7: {  	s6 =	ssub.s32 $0x2, s6;
	s31 =	sshll.u32 s0, $0x6;
	s5 =	sor.u32 s0, s2  }
0x8: {  	s2 =	rddreg [dreg:$0x3];
	_ =	strace $0x8000004D;
	s8 =	smul.u32 $0x500, s5  }
0x9: {  	s30 =	sshrl.u32 s6, $0x1;
	s9 =	smul.u32 $0x2980, s5;
	s5 =	sadd.s32 $0x17800, s7  }
0xa: {  	s10 =	sshrl.u32 s10, $0x2;
	s11 =	ssub.s32 s6, s30;
	s6 =	sor.u32 $0x1C02, s31  }
0xb: {  	s12 =	sadd.s32 s10, s3;
	s10 =	smax.u32 s11, $0x1;
	s8 =	sadd.s32 s8, s7  }
0xc: {  	s9 =	sadd.s32 s9, s7;
	s11 =	sshrl.u32 s12, $0x3;
	s12 =	simm.s32 $0x2  }
0xd: {  	s7 =	sadd.s32 $0xD800, s8;
	s8 =	sadd.s32 $0x3800, s8;
	s9 =	sadd.s32 $0x6C400, s9  }
.LBB2_1:
0xe: {  	[spmem:s11], [sflag:s6] =	dma.local [hbm:s5], $0x2910  }
0xf: {  	_ =	swait.ge [sflag:s12], $0x2910  }
0x10: {  	[sflag:s12] =	ssyncset.done $0x0  }
0x11: {  	[sflag:s12] =	ssyncadd.s32 $0xFFFFD6F0  }
0x12: {  	[tilespmem:s4], [sflag:$0x2] =	stream.linear.gather [hbm4b:s7+s4], $0x2780, $0x38;
	[tilespmem:$0x1D880] =	vst v63  }
0x13: {  	_ =	swait.ge [sflag:s12], $0x2780  }
0x14: {  	[sflag:s12] =	ssyncset.done $0x0  }
0x15: {  	[sflag:s12] =	ssyncadd.s32 $0xFFFFD880  }
0x16: {  	[tilespmem:s13], [sflag:$0x2] =	stream.linear.gather [hbm4b:s8+s4], $0x2780, $0x38;
	[tilespmem:$0x1D880] =	vst v63  }
0x17: {  	_ =	swait.ge [sflag:s12], $0x2780  }
0x18: {  	[sflag:s12] =	ssyncset.done $0x0  }
0x19: {  	[sflag:s12] =	ssyncadd.s32 $0xFFFFD880  }
0x1a: {  	s18 =	simm.s32 $0x0;
	[bflag:$0x0] =	sbarrier.arrive $0xFFFF  }
0x1b: {  	[tilespmem:s15], [sflag:$0x1] =	stream.indirect.gather [hbm4b:s1+s14], $0x80, s18, s14, $0xb8;
	[tilespmem:$0x1D880] =	vst v63  }
0x1c: {  	_ =	swait.ge [sflag:s16], $0x4000  }
0x1d: {  	[sflag:s16] =	ssyncset.done $0x0  }
0x1e: {  	s31 =	simm.s32 $0x2800;
	[sflag:s16] =	ssyncadd.s32 $0xFFFFC000  }
0x1f: {  	[spmem:s3] =	stream.indirect.scatter.add.f32 [tilespmem:s15], [sflag:$0x2], $0x80, s31, s14, $0xb8;
	[tilespmem:$0x1D880] =	vst v63  }
0x20: {  	_ =	swait.ge [sflag:s12], $0x4000  }
0x21: {  	s19 =	simm.s32 $0x400;
	s18 =	simm.s32 $0x200;
	[sflag:s12] =	ssyncset.done $0x0  }
.LBB2_2:
0x22: {  	s20 =	sshra.s32 s18, $0x2  }
0x23: {  	[sflag:s12] =	ssyncadd.s32 $0xFFFFC000;
	s18 =	smov.u32 s19;
	s21 =	sadd.s32 $0x200, s19  }
0x24: {  	[tilespmem:s15], [sflag:$0x1] =	stream.indirect.gather [hbm4b:s1+s14], $0x80, s20, s14, $0xb8;
	[tilespmem:$0x1D880] =	vst v63  }
0x25: {  	p0 =	sne.s32 s19, $0x9C00;
	_ =	swait.ge [sflag:s16], $0x4000  }
.Ltmp0:
0x26: {  	[sflag:s16] =	ssyncset.done $0x0;
	(pc) =	sbr.rel @p0 .LBB2_2-.Ltmp0, $4  }
0x27: {  	s19 =	sadd.s32 $0x2800, s20;
	[sflag:s16] =	ssyncadd.s32 $0xFFFFC000  }
0x28: {  	[spmem:s3] =	stream.indirect.scatter.add.f32 [tilespmem:s15], [sflag:$0x2], $0x80, s19, s14, $0xb8;
	[tilespmem:$0x1D880] =	vst v63  }
0x29: {  	_ =	swait.ge [sflag:s12], $0x4000  }
0x2a: {  	s19 =	smov.u32 s21;
	[sflag:s12] =	ssyncset.done $0x0  }
0x2b: {  	s18 =	sshra.s32 s18, $0x2;
	[sflag:s12] =	ssyncadd.s32 $0xFFFFC000  }
0x2c: {  	[tilespmem:s15], [sflag:$0x1] =	stream.indirect.gather [hbm4b:s1+s14], $0x80, s18, s14, $0xb8;
	[tilespmem:$0x1D880] =	vst v63  }
0x2d: {  	_ =	swait.ge [sflag:s16], $0x4000  }
0x2e: {  	[sflag:s16] =	ssyncset.done $0x0  }
0x2f: {  	s18 =	sadd.s32 $0x2800, s18;
	[sflag:s16] =	ssyncadd.s32 $0xFFFFC000  }
0x30: {  	[spmem:s3] =	stream.indirect.scatter.add.f32 [tilespmem:s15], [sflag:$0x2], $0x80, s18, s14, $0xb8;
	[tilespmem:$0x1D880] =	vst v63  }
0x31: {  	_ =	swait.ge [sflag:s12], $0x4000  }
0x32: {  	s17 =	sadd.s32 $0x1, s17;
	[sflag:s12] =	ssyncset.done $0x0  }
0x33: {  	p0 =	sne.s32 s17, s10;
	[sflag:s12] =	ssyncadd.s32 $0xFFFFC000  }
.Ltmp1:
0x34: {  	[bflag:$0x0] =	sbarrier.arrive $0xFFFF;
	(pc) =	sbr.rel @p0 .LBB2_1-.Ltmp1, $4  }
0x35: {  	[hbm:s9], [sflag:s6] =	dma.local [spmem:s11], $0x2910  }
0x36: {  	_ =	swait.ge [sflag:s12], $0x2910  }
0x37: {  	[sflag:s12] =	ssyncset.done $0x0  }
0x38: {  	[sflag:s12] =	ssyncadd.s32 $0xFFFFD6F0  }
0x39: {  	_ =	sfence.sel $0x180000  }
0x3a: {  	[bflag:$0x0] =	sbarrier.arrive $0xFFFF  }
0x3b: {  	p0 =	sne.s32 s0, $0x0;
	_ =	strace $0x9000004D  }
0x3c: {  	s0 =	sadd.s32 @!p0 $0x100000, s2;
	[bflag:$0x2] =	sbarrier.arrive $0xFFFF  }
0x3d: {  	[sflag:s0] =	ssyncadd.tile.s32 @!p0 $0x1;
	_ =	shalt  }
.Lfunc_end2:
_tile_overlayer_lowered:
.L_overlay_start_2:
0x3e: {  	(tag) =	ssettag $0x2  }
0x3f: {  	s0 =	rddreg [dreg:$0x0];
	s2 =	stileid.u32  }
0x40: {  	s1 =	rddreg [dreg:$0x1];
	p0 =	sne.s32 s2, $0x0  }
0x41: {  	s3 =	rddreg [dreg:$0x2];
	[bflag:$0x3] =	sbarrier.arrive $0xFFFF;
	s2 =	simm.s32 @!p0 $0x1C02  }
0x42: {  	[timem:s3], [sflag:s2] =	dma.local @!p0 [hbm:s0], s1  }
0x43: {  	s0 =	simm.s32 @!p0 $0x2  }
0x44: {  	_ =	swait.ge @!p0 [sflag:s0], s1  }
0x45: {  	s1 =	ssub.s32 @!p0 $0x0, s1;
	[sflag:s0] =	ssyncset.done @!p0 $0x0  }
0x46: {  	[sflag:s0] =	ssyncadd.s32 @!p0 s1  }
0x47: {  	[bflag:$0x3] =	sbarrier.arrive $0xFFFF  }
0x48: {  	_ =	shalt  }

// kernel: kernel.19.cloned.1.call-start
scs
__scs_entry_jumppad:
0x0: {  	(pc) =	sbr.rel $0x88, $3  }
0x1: {  	(tag) =	ssettag $0x0;
	lr =	simm.s32 $0x1  }
0x2: {  	[smem:$0x3F94] =	sst lr;
	_ =	strace $0xD0000000  }
0x3: {  	_ = 	snop  }
0x4: {  	_ = 	snop  }
0x5: {  	_ = 	snop  }
0x6: {  	_ = 	snop  }
0x7: {  	_ = 	snop  }
__scs_overlays_trampoline_lowered:
0x8: {  	[smem:$0x3FA3] =	sst s0  }
0x9: {  	[smem:$0x3FA4] =	sst s1  }
0xa: {  	[smem:$0x3FA5] =	sst s2  }
0xb: {  	[smem:$0x3FA6] =	sst s3  }
0xc: {  	[smem:$0x3FA7] =	sst s4  }
0xd: {  	[smem:$0x3FA8] =	sst s5  }
0xe: {  	[smem:$0x3FA9] =	sst s6  }
0xf: {  	[smem:$0x3FAA] =	sst s7  }
0x10: {  	[smem:$0x3FAB] =	sst s8  }
0x11: {  	[smem:$0x3FAC] =	sst s9;
	s0 =	simm.s32 @!p0 $0x0  }
0x12: {  	s1 =	sld [smem:$0x3F92];
	s0 =	simm.s32 @p0 $0x1  }
0x13: {  	[smem:$0x3FAD] =	sst s0;
	s0 =	simm.s32 @!p1 $0x0  }
0x14: {  	s2 =	sld [smem:$0x3F91];
	s0 =	simm.s32 @p1 $0x1  }
0x15: {  	[smem:$0x3FAE] =	sst s0;
	s0 =	simm.s32 @!p2 $0x0  }
0x16: {  	s3 =	sld [smem:$0x3FDB];
	s0 =	simm.s32 @p2 $0x1  }
0x17: {  	s4 =	simm.s32 $0x1BF5;
	[smem:$0x3FB0] =	sst s0  }
0x18: {  	s0 =	sld [smem:$0x3F93];
	_ =	swait.ge [sflag:s4], $0x0  }
0x19: {  	s7 =	sld [smem:$0x3F94]  }
0x1a: {  	s8 =	sadd.s32 $0xFFFFE003, lr  }
0x1b: {  	s9 =	sadd.s32 $0xFFFFFEF7, lr;
	s5 =	simm.s32 $0xFFFFFFFF;
	p2 =	slt.u32 s8, $0xFFFFF086  }
0x1c: {  	p1 =	slt.u32 s9, $0xF7A;
	s5 =	simm.s32 @!p2 $0x0  }
0x1d: {  	s5 =	simm.s32 @p1 $0x1;
	p0 =	seq.s32 s7, s2  }
0x1e: {  	s7 =	smul.u32 @!p0 $0xF7A, s2;
	p2 =	seq.s32 @!p0 s5, $0x0  }
0x1f: {  	s9 =	smul.u32 $0xF7A, s1;
	s8 =	simm.s32 @!p0 $0x1BF5;
	p2 =	por !p2, p0  }
0x20: {  	[sflag:s8] =	ssyncset.s32 @!p0 $0xFFFFF086;
	s6 =	sadd.s32 @!p0 s3, s7;
	s7 =	simm.s32 @!p0 $0x108  }
0x21: {  	s3 =	sadd.s32 s3, s9;
	s6 =	sadd.s32 @!p0 $0x88, s6;
	s7 =	simm.s32 @p2 $0x1082  }
0x22: {  	[simem:s7], [sflag:s8] =	dma.local @!p0 [hbm:s6], $0xF7A  }
0x23: {  	s9 =	sor.u32 $0xD0000000, s2;
	s6 =	simm.s32 $0x108;
	_ =	swait.ge @!p0 [sflag:s8], $0x0  }
0x24: {  	s3 =	sadd.s32 $0x88, s3;
	s6 =	simm.s32 @!p1 $0x1082;
	[sflag:s4] =	ssyncset.s32 $0xFFFFF086  }
0x25: {  	[simem:s6], [sflag:s4] =	dma.local [hbm:s3], $0xF7A  }
0x26: {  	[smem:$0x3F94] =	sst s1;
	(tag) =	ssettag s2;
	_ =	strace s9  }
0x27: {  	s1 =	sld [smem:$0x3FA4]  }
0x28: {  	s2 =	sld [smem:$0x3FA5]  }
0x29: {  	s4 =	sld [smem:$0x3FA7]  }
0x2a: {  	p0 =	seq.s32 s5, $0x0;
	s5 =	sld [smem:$0x3FA8]  }
0x2b: {  	s6 =	sld [smem:$0x3FA9]  }
0x2c: {  	s7 =	sld [smem:$0x3FAA]  }
0x2d: {  	s3 =	simm.s32 $0x108;
	s8 =	sld [smem:$0x3FAB]  }
0x2e: {  	s3 =	simm.s32 @!p0 $0x1082;
	s9 =	sld [smem:$0x3FAC]  }
0x2f: {  	lr =	sadd.s32 s0, s3;
	s0 =	sld [smem:$0x3FA3]  }
0x30: {  	s3 =	sld [smem:$0x3FA6]  }
0x31: {  	[smem:$0x3FAF] =	sst s10  }
0x32: {  	s10 =	sld [smem:$0x3FAD];
	_ =	sdelay $0x3  }
0x33: {  	p0 =	seq.s32 s10, $0x1;
	s10 =	sld [smem:$0x3FAF];
	_ =	sdelay $0x3  }
0x34: {  	[smem:$0x3FAF] =	sst s10  }
0x35: {  	s10 =	sld [smem:$0x3FAE];
	_ =	sdelay $0x3  }
0x36: {  	p1 =	seq.s32 s10, $0x1;
	s10 =	sld [smem:$0x3FAF];
	_ =	sdelay $0x3  }
0x37: {  	[smem:$0x3FAF] =	sst s10  }
0x38: {  	s10 =	sld [smem:$0x3FB0]  }
0x39: {  	_ = 	snop;
	(pc) =	sbr.ind lr, $3  }
0x3a: {  	_ = 	snop  }
0x3b: {  	_ = 	snop  }
0x3c: {  	p2 =	seq.s32 s10, $0x1;
	s10 =	sld [smem:$0x3FAF]  }
0x3d: {  	_ =	shalt  }
0x3e: {  	_ =	shalt  }
0x3f: {  	_ =	shalt  }
0x40: {  	_ =	shalt  }
0x41: {  	_ =	shalt  }
0x42: {  	_ =	shalt  }
0x43: {  	_ =	shalt  }
0x44: {  	_ =	shalt  }
0x45: {  	_ =	shalt  }
0x46: {  	_ =	shalt  }
0x47: {  	_ =	shalt  }
0x48: {  	_ =	shalt  }
0x49: {  	_ =	shalt  }
0x4a: {  	_ =	shalt  }
0x4b: {  	_ =	shalt  }
0x4c: {  	_ =	shalt  }
0x4d: {  	_ =	shalt  }
0x4e: {  	_ =	shalt  }
0x4f: {  	_ =	shalt  }
0x50: {  	_ =	shalt  }
0x51: {  	_ =	shalt  }
0x52: {  	_ =	shalt  }
0x53: {  	_ =	shalt  }
0x54: {  	_ =	shalt  }
0x55: {  	_ =	shalt  }
0x56: {  	_ =	shalt  }
0x57: {  	_ =	shalt  }
0x58: {  	_ =	shalt  }
0x59: {  	_ =	shalt  }
0x5a: {  	_ =	shalt  }
0x5b: {  	_ =	shalt  }
0x5c: {  	_ =	shalt  }
0x5d: {  	_ =	shalt  }
0x5e: {  	_ =	shalt  }
0x5f: {  	_ =	shalt  }
0x60: {  	_ =	shalt  }
0x61: {  	_ =	shalt  }
0x62: {  	_ =	shalt  }
0x63: {  	_ =	shalt  }
0x64: {  	_ =	shalt  }
0x65: {  	_ =	shalt  }
0x66: {  	_ =	shalt  }
0x67: {  	_ =	shalt  }
0x68: {  	_ =	shalt  }
0x69: {  	_ =	shalt  }
0x6a: {  	_ =	shalt  }
0x6b: {  	_ =	shalt  }
0x6c: {  	_ =	shalt  }
0x6d: {  	_ =	shalt  }
0x6e: {  	_ =	shalt  }
0x6f: {  	_ =	shalt  }
0x70: {  	_ =	shalt  }
0x71: {  	_ =	shalt  }
0x72: {  	_ =	shalt  }
0x73: {  	_ =	shalt  }
0x74: {  	_ =	shalt  }
0x75: {  	_ =	shalt  }
0x76: {  	_ =	shalt  }
0x77: {  	_ =	shalt  }
0x78: {  	_ =	shalt  }
0x79: {  	_ =	shalt  }
0x7a: {  	_ =	shalt  }
0x7b: {  	_ =	shalt  }
0x7c: {  	_ =	shalt  }
0x7d: {  	_ =	shalt  }
0x7e: {  	_ =	shalt  }
0x7f: {  	_ =	shalt  }
0x80: {  	_ =	shalt  }
0x81: {  	_ =	shalt  }
0x82: {  	_ =	shalt  }
0x83: {  	_ =	shalt  }
0x84: {  	_ =	shalt  }
0x85: {  	_ =	shalt  }
0x86: {  	_ =	shalt  }
0x87: {  	_ =	shalt  }
.Lfunc_end0:
.L_simem_size_0:
called_computation.3_lowered:
.L_overlay_start_0:
0x88: {  	s2 =	sld [smem:$0x3FD9]  }
0x89: {  	s3 =	sld [smem:$0x3FFE];
	_ =	sdelay $0x1  }
0x8a: {  	s1 =	srdreg.scid  }
0x8b: {  	s0 =	sand.u32 $0x1, s1  }
0x8c: {  	s17 =	sshll.u32 s0, $0xA;
	s2 =	sadd.s32 s3, s2  }
0x8d: {  	s2 =	sadd.s32 s2, s17  }
0x8e: {  	[smem:$0x3FBB] =	sst s2  }
0x8f: {  	_ = 	snop  }
0x90: {  	s2 =	sld [smem:$0x3FD0];
	(tm) =	ssettm $0x1  }
0x91: {  	s18 =	sld [smem:$0x3FFB];
	_ =	sdelay $0x3  }
0x92: {  	_ =	strace s18  }
0x93: {  	s3 =	sld [smem:$0x3FFC];
	_ =	sdelay $0x3  }
0x94: {  	_ =	strace s3  }
0x95: {  	s3 =	sld [smem:$0x3FFD];
	_ =	sdelay $0x3  }
0x96: {  	_ =	strace s3  }
0x97: {  	_ =	strace $0x8FFFFFFF  }
0x98: {  	s19 =	sld [smem:$0x3FDB];
	_ =	sdelay $0x1  }
0x99: {  	s4 =	simm.s32 $_scs_section_size  }
0x9a: {  	s5 =	simm.s32 $_size__tile_overlayer_lowered;
	s6 =	simm.s32 $_tile_overlayer_lowered  }
0x9b: {  	s22 =	simm.s32 $0x1BFF;
	s21 =	sshll.u32 s6, $0x1;
	s3 =	sadd.s32 s4, s19  }
0x9c: {  	s7 =	simm.s32 $0x0;
	s20 =	sshll.u32 s5, $0x1;
	s5 =	sadd.s32 s21, s3  }
0x9d: {  	[timem:s7], [sflag:s22] =	dma.local [hbm:s5], s20  }
0x9e: {  	_ =	swait.ge [sflag:s22], s20  }
0x9f: {  	s4 =	ssub.s32 $0x0, s20;
	[sflag:s22] =	ssyncset.done $0x0  }
0xa0: {  	[sflag:s22] =	ssyncadd.s32 s4;
	_ =	sdelay $0x1  }
0xa1: {  	s23 =	simm.s32 $0x1B8B  }
0xa2: {  	_ =	swait.ge [sflag:s23], $0x1  }
0xa3: {  	[sflag:s23] =	ssyncset.done $0x0  }
0xa4: {  	s25 =	simm.s32 $0x1B8E;
	s24 =	sld [smem:$0x3FFE];
	[sflag:s23] =	ssyncadd.s32 $0xFFFFFFFF  }
0xa5: {  	s26 =	simm.s32 $execute0_lowered;
	[smem:$0x3FD2] =	sst s25  }
0xa6: {  	s5 =	sshll.u32 s26, $0x1;
	_ =	strace $0x8000004F;
	[dreg:$0x1] =	wrdreg $0xFFFFFFFF  }
0xa7: {  	s28 =	simm.s32 $_size_execute0_lowered;
	s3 =	sadd.s32 s3, s5;
	[dreg:$0x0] =	wrdreg $0x0  }
0xa8: {  	s5 =	sshll.u32 s28, $0x1;
	[dreg:$0x2] =	wrdreg s3  }
0xa9: {  	[dreg:$0x3] =	wrdreg s5  }
0xaa: {  	[dreg:$0x4] =	wrdreg $0xC0  }
0xab: {  	_ =	task [dreg:s7], $0x5FFFF  }
0xac: {  	[dreg:$0x1] =	wrdreg $0xFFFFFFFF  }
0xad: {  	[dreg:$0x0] =	wrdreg $0x60  }
0xae: {  	[dreg:$0x2] =	wrdreg s2  }
0xaf: {  	[dreg:$0x3] =	wrdreg s24  }
0xb0: {  	[dreg:$0x4] =	wrdreg $0x90000  }
0xb1: {  	[dreg:$0x5] =	wrdreg $0x9  }
0xb2: {  	_ =	task.clear_ibuf [dreg:s7], $0x6FFFF;
	_ =	strace $0x9000004F  }
0xb3: {  	s29 =	simm.s32 $0x9;
	_ =	strace $0x80000051  }
0xb4: {  	_ =	swait.ge [sflag:s29], $0x1  }
0xb5: {  	[sflag:s29] =	ssyncadd.s32 $0xFFFFFFFF  }
0xb6: {  	_ =	strace $0x90000051  }
0xb7: {  	_ =	sfence  }
0xb8: {  	s30 =	sld [smem:$0x0];
	_ =	sdelay $0x2  }
0xb9: {  	s31 =	sshll.u32 s1, $0xD;
	s1 =	sshrl.u32 s1, $0x2  }
0xba: {  	s3 =	sand.u32 $0x4000, s31;
	s1 =	sadd.s32 s1, s30  }
0xbb: {  	s0 =	sor.u32 s3, s0;
	s1 =	sshll.u32 s1, $0x11  }
0xbc: {  	s0 =	sor.u32 s1, s0  }
0xbd: {  	s0 =	sadd.s32 $0x8F2B, s0  }
0xbe: {  	[sflag:s0] =	ssyncadd.remote.s32 $0x1  }
0xbf: {  	_ =	sfence.sel $0xFFFF  }
0xc0: {  	[dreg:$0x0] =	wrdreg $0xFFFFFFFF;
	(pc) =	sbr.abs _section_cstart, $3  }
0xc1: {  	[dreg:$0x1] =	wrdreg $0xFFFFFFFF  }
0xc2: {  	_ =	task.clear_ibuf [dreg:s7], $0x2FFFF;
	_ =	strace $0x9FFFFFFF  }
0xc3: {  	(tm) =	ssettm $0x7FFFFFFF  }
tec
execute0_lowered:
.L_overlay_start_1:
0x0: {  	(tag) =	ssettag $0x1  }
0x1: {  	s1 =	rddreg [dreg:$0x0]  }
0x2: {  	s0 =	srdreg.scid;
	s7 =	rddreg [dreg:$0x1]  }
0x3: {  	s3 =	rddreg [dreg:$0x2];
	s4 =	simm.s32 $0x0;
	s13 =	simm.s32 $0x2800  }
0x4: {  	s14 =	simm.s32 $0x80;
	s15 =	simm.s32 $0x5000;
	s16 =	simm.s32 $0x1  }
0x5: {  	s17 =	simm.s32 $0x0;
	s6 =	sand.u32 $0x1, s0;
	s0 =	stileid.u32  }
0x6: {  	[smem:$0x7FF] =	sst s4;
	s2 =	sshll.u32 s6, $0x4;
	s10 =	smul.u32 $0x52200, s0  }
0x7: {  	s6 =	ssub.s32 $0x2, s6;
	s31 =	sshll.u32 s0, $0x6;
	s5 =	sor.u32 s0, s2  }
0x8: {  	s2 =	rddreg [dreg:$0x3];
	_ =	strace $0x80000050;
	s8 =	smul.u32 $0x500, s5  }
0x9: {  	s30 =	sshrl.u32 s6, $0x1;
	s9 =	smul.u32 $0x2980, s5;
	s5 =	sadd.s32 $0x17800, s7  }
0xa: {  	s10 =	sshrl.u32 s10, $0x2;
	s11 =	ssub.s32 s6, s30;
	s6 =	sor.u32 $0x1C02, s31  }
0xb: {  	s12 =	sadd.s32 s10, s3;
	s10 =	smax.u32 s11, $0x1;
	s8 =	sadd.s32 s8, s7  }
0xc: {  	s9 =	sadd.s32 s9, s7;
	s11 =	sshrl.u32 s12, $0x3;
	s12 =	simm.s32 $0x2  }
0xd: {  	s7 =	sadd.s32 $0xD800, s8;
	s8 =	sadd.s32 $0x3800, s8;
	s9 =	sadd.s32 $0x6C400, s9  }
.LBB2_1:
0xe: {  	[spmem:s11], [sflag:s6] =	dma.local [hbm:s5], $0x2910  }
0xf: {  	_ =	swait.ge [sflag:s12], $0x2910  }
0x10: {  	[sflag:s12] =	ssyncset.done $0x0  }
0x11: {  	[sflag:s12] =	ssyncadd.s32 $0xFFFFD6F0  }
0x12: {  	[tilespmem:s4], [sflag:$0x2] =	stream.linear.gather [hbm4b:s7+s4], $0x2780, $0x38;
	[tilespmem:$0x1D880] =	vst v63  }
0x13: {  	_ =	swait.ge [sflag:s12], $0x2780  }
0x14: {  	[sflag:s12] =	ssyncset.done $0x0  }
0x15: {  	[sflag:s12] =	ssyncadd.s32 $0xFFFFD880  }
0x16: {  	[tilespmem:s13], [sflag:$0x2] =	stream.linear.gather [hbm4b:s8+s4], $0x2780, $0x38;
	[tilespmem:$0x1D880] =	vst v63  }
0x17: {  	_ =	swait.ge [sflag:s12], $0x2780  }
0x18: {  	[sflag:s12] =	ssyncset.done $0x0  }
0x19: {  	[sflag:s12] =	ssyncadd.s32 $0xFFFFD880  }
0x1a: {  	s18 =	simm.s32 $0x0;
	[bflag:$0x0] =	sbarrier.arrive $0xFFFF  }
0x1b: {  	[tilespmem:s15], [sflag:$0x1] =	stream.indirect.gather [hbm4b:s1+s14], $0x80, s18, s14, $0xb8;
	[tilespmem:$0x1D880] =	vst v63  }
0x1c: {  	_ =	swait.ge [sflag:s16], $0x4000  }
0x1d: {  	[sflag:s16] =	ssyncset.done $0x0  }
0x1e: {  	s31 =	simm.s32 $0x2800;
	[sflag:s16] =	ssyncadd.s32 $0xFFFFC000  }
0x1f: {  	[spmem:s3] =	stream.indirect.scatter.add.f32 [tilespmem:s15], [sflag:$0x2], $0x80, s31, s14, $0xb8;
	[tilespmem:$0x1D880] =	vst v63  }
0x20: {  	_ =	swait.ge [sflag:s12], $0x4000  }
0x21: {  	s19 =	simm.s32 $0x400;
	s18 =	simm.s32 $0x200;
	[sflag:s12] =	ssyncset.done $0x0  }
.LBB2_2:
0x22: {  	s20 =	sshra.s32 s18, $0x2  }
0x23: {  	[sflag:s12] =	ssyncadd.s32 $0xFFFFC000;
	s18 =	smov.u32 s19;
	s21 =	sadd.s32 $0x200, s19  }
0x24: {  	[tilespmem:s15], [sflag:$0x1] =	stream.indirect.gather [hbm4b:s1+s14], $0x80, s20, s14, $0xb8;
	[tilespmem:$0x1D880] =	vst v63  }
0x25: {  	p0 =	sne.s32 s19, $0x9C00;
	_ =	swait.ge [sflag:s16], $0x4000  }
.Ltmp0:
0x26: {  	[sflag:s16] =	ssyncset.done $0x0;
	(pc) =	sbr.rel @p0 .LBB2_2-.Ltmp0, $4  }
0x27: {  	s19 =	sadd.s32 $0x2800, s20;
	[sflag:s16] =	ssyncadd.s32 $0xFFFFC000  }
0x28: {  	[spmem:s3] =	stream.indirect.scatter.add.f32 [tilespmem:s15], [sflag:$0x2], $0x80, s19, s14, $0xb8;
	[tilespmem:$0x1D880] =	vst v63  }
0x29: {  	_ =	swait.ge [sflag:s12], $0x4000  }
0x2a: {  	s19 =	smov.u32 s21;
	[sflag:s12] =	ssyncset.done $0x0  }
0x2b: {  	s18 =	sshra.s32 s18, $0x2;
	[sflag:s12] =	ssyncadd.s32 $0xFFFFC000  }
0x2c: {  	[tilespmem:s15], [sflag:$0x1] =	stream.indirect.gather [hbm4b:s1+s14], $0x80, s18, s14, $0xb8;
	[tilespmem:$0x1D880] =	vst v63  }
0x2d: {  	_ =	swait.ge [sflag:s16], $0x4000  }
0x2e: {  	[sflag:s16] =	ssyncset.done $0x0  }
0x2f: {  	s18 =	sadd.s32 $0x2800, s18;
	[sflag:s16] =	ssyncadd.s32 $0xFFFFC000  }
0x30: {  	[spmem:s3] =	stream.indirect.scatter.add.f32 [tilespmem:s15], [sflag:$0x2], $0x80, s18, s14, $0xb8;
	[tilespmem:$0x1D880] =	vst v63  }
0x31: {  	_ =	swait.ge [sflag:s12], $0x4000  }
0x32: {  	s17 =	sadd.s32 $0x1, s17;
	[sflag:s12] =	ssyncset.done $0x0  }
0x33: {  	p0 =	sne.s32 s17, s10;
	[sflag:s12] =	ssyncadd.s32 $0xFFFFC000  }
.Ltmp1:
0x34: {  	[bflag:$0x0] =	sbarrier.arrive $0xFFFF;
	(pc) =	sbr.rel @p0 .LBB2_1-.Ltmp1, $4  }
0x35: {  	[hbm:s9], [sflag:s6] =	dma.local [spmem:s11], $0x2910  }
0x36: {  	_ =	swait.ge [sflag:s12], $0x2910  }
0x37: {  	[sflag:s12] =	ssyncset.done $0x0  }
0x38: {  	[sflag:s12] =	ssyncadd.s32 $0xFFFFD6F0  }
0x39: {  	_ =	sfence.sel $0x180000  }
0x3a: {  	[bflag:$0x0] =	sbarrier.arrive $0xFFFF  }
0x3b: {  	p0 =	sne.s32 s0, $0x0;
	_ =	strace $0x90000050  }
0x3c: {  	s0 =	sadd.s32 @!p0 $0x100000, s2;
	[bflag:$0x2] =	sbarrier.arrive $0xFFFF  }
0x3d: {  	[sflag:s0] =	ssyncadd.tile.s32 @!p0 $0x1;
	_ =	shalt  }
.Lfunc_end2:
_tile_overlayer_lowered:
.L_overlay_start_2:
0x3e: {  	(tag) =	ssettag $0x2  }
0x3f: {  	s0 =	rddreg [dreg:$0x0];
	s2 =	stileid.u32  }
0x40: {  	s1 =	rddreg [dreg:$0x1];
	p0 =	sne.s32 s2, $0x0  }
0x41: {  	s3 =	rddreg [dreg:$0x2];
	[bflag:$0x3] =	sbarrier.arrive $0xFFFF;
	s2 =	simm.s32 @!p0 $0x1C02  }
0x42: {  	[timem:s3], [sflag:s2] =	dma.local @!p0 [hbm:s0], s1  }
0x43: {  	s0 =	simm.s32 @!p0 $0x2  }
0x44: {  	_ =	swait.ge @!p0 [sflag:s0], s1  }
0x45: {  	s1 =	ssub.s32 @!p0 $0x0, s1;
	[sflag:s0] =	ssyncset.done @!p0 $0x0  }
0x46: {  	[sflag:s0] =	ssyncadd.s32 @!p0 s1  }
0x47: {  	[bflag:$0x3] =	sbarrier.arrive $0xFFFF  }
0x48: {  	_ =	shalt  }

</sc_bundles>
